<compile_context>
chip_gen: v7x
topology: tpu7x:2x2x1
jax: 0.10.2.dev20260603
libtpu: 0.0.44.dev20260713+nightly
codegen_flags: <defaults>
</compile_context>

<pallas_src>
import functools

import jax
import jax.numpy as jnp
from jax import lax
from jax.experimental import pallas as pl
from jax.experimental.pallas import tpu as pltpu
from jax.experimental.pallas import tpu_sc as plsc

NC, NS, L = 2, 16, 16
NW = NC * NS
F = 40
UNROLL = 4
ROW = 112
EPS2 = 1e-24


def _rsqrt(s):
    i = lax.bitcast_convert_type(s, jnp.int32)
    y = lax.bitcast_convert_type(jnp.int32(0x5F3759DF) - (i >> 1), jnp.float32)
    hs = 0.5 * s
    y = y * (1.5 - hs * y * y)
    y = y * (1.5 - hs * y * y)
    return y


def _dot(a, b):
    return a[0] * b[0] + a[1] * b[1] + a[2] * b[2]


@functools.partial(jax.jit, static_argnames=("nf",))
def _sc_loss(tbl, faces_flat, nf):
    nchunk = nf // F
    mesh = plsc.VectorSubcoreMesh(core_axis_name="c", subcore_axis_name="s")

    @functools.partial(
        pl.kernel,
        mesh=mesh,
        out_type=jax.ShapeDtypeStruct((L, 3, nf), jnp.float32),
        scratch_types=[
            pltpu.VMEM((3 * F,), jnp.int32),
            pltpu.VMEM((3 * F, ROW), jnp.float32),
            pltpu.VMEM((L, 3, F), jnp.float32),
            pltpu.SemaphoreType.DMA,
        ],
        compiler_params=pltpu.CompilerParams(
            use_tc_tiling_on_sc=False, needs_layout_passes=False
        ),
    )
    def k(tbl_hbm, face_hbm, out_hbm, idx_v, rows_v, out_v, sem):
        wid = lax.axis_index("s") * NC + lax.axis_index("c")
        my_chunks = (nchunk - wid + NW - 1) // NW
        lane = lax.iota(jnp.int32, 16)

        def chunk_body(t, carry):
            c = wid + t * NW
            pltpu.sync_copy(face_hbm.at[pl.ds(c * (3 * F), 3 * F)], idx_v)
            pltpu.async_copy(tbl_hbm.at[idx_v], rows_v, sem).wait()

            @plsc.parallel_loop(0, F, 1, unroll=UNROLL)
            def one_face(j):
                r0 = 3 * j
                r1 = r0 + 1
                r2 = r0 + 2

                def ld(r, kk):
                    return rows_v[r, 16 * kk:16 * (kk + 1)]

                o0 = [ld(r0, kk) for kk in range(3)]
                o1 = [ld(r1, kk) for kk in range(3)]
                o2 = [ld(r2, kk) for kk in range(3)]
                g0 = [ld(r0, 3 + kk) for kk in range(3)]
                g1 = [ld(r1, 3 + kk) for kk in range(3)]
                g2 = [ld(r2, 3 + kk) for kk in range(3)]
                m = ld(r0, 6) * ld(r1, 6) * ld(r2, 6)

                e1 = [a - b for a, b in zip(o1, o0)]
                e2 = [a - b for a, b in zip(o2, o0)]
                e3 = [a - b for a, b in zip(e2, e1)]
                h1 = [a - b for a, b in zip(g1, g0)]
                h2 = [a - b for a, b in zip(g2, g0)]
                n = [h1[1] * h2[2] - h1[2] * h2[1],
                     h1[2] * h2[0] - h1[0] * h2[2],
                     h1[0] * h2[1] - h1[1] * h2[0]]

                snc = jnp.maximum(_dot(n, n), EPS2)
                d1 = _dot(e1, n)
                d2 = _dot(e2, n)
                d3 = d2 - d1
                c1 = jnp.abs(d1) * _rsqrt(jnp.maximum(_dot(e1, e1), EPS2) * snc) * m
                c2 = jnp.abs(d2) * _rsqrt(jnp.maximum(_dot(e2, e2), EPS2) * snc) * m
                c3 = jnp.abs(d3) * _rsqrt(jnp.maximum(_dot(e3, e3), EPS2) * snc) * m

                jv = jnp.full((16,), j, jnp.int32)
                plsc.store_scatter(out_v, [lane, jnp.full((16,), 0, jnp.int32), jv], c1)
                plsc.store_scatter(out_v, [lane, jnp.full((16,), 1, jnp.int32), jv], c2)
                plsc.store_scatter(out_v, [lane, jnp.full((16,), 2, jnp.int32), jv], c3)

            pltpu.sync_copy(out_v, out_hbm.at[:, :, pl.ds(c * F, F)])
            return carry

        lax.fori_loop(0, my_chunks, chunk_body, 0)

    return k(tbl, faces_flat)


def kernel(coord_out, coord_gt, valid, face):
    B, V, D = coord_out.shape
    nf = face.shape[0]
    tbl = jnp.concatenate(
        [
            coord_out.transpose(1, 2, 0).reshape(V, D * B),
            coord_gt.transpose(1, 2, 0).reshape(V, D * B),
            valid[:, :, 0].T,
        ],
        axis=1,
    )
    out = _sc_loss(tbl, face.reshape(-1), nf)
    return out.reshape(B, 3 * nf, 1)

# --- scband reference (transcript-rebuilt; emitter-appended) ---
"""Pipeline reference for scband-normal-vector-loss-11235634446772 (READ-ONLY COPY).

The authoritative reference and input builder live on the scoring server;
editing this copy changes nothing except your own understanding.
"""

import jax, jax.numpy as jnp
import numpy as np

B, V, NF, D = 16, 50000, 100000, 3


def _normalize(v):
    # matches torch F.normalize(p=2, dim=2) with eps clamp
    n = jnp.sqrt(jnp.sum(v * v, axis=2, keepdims=True))
    return v / jnp.maximum(n, 1e-12)


def setup_inputs(seed: int = 0) -> dict:
    key = jax.random.key(seed)
    k1, k2, k3, k4 = jax.random.split(key, 4)
    coord_out = jax.random.normal(k1, (B, V, D), dtype=jnp.float32)
    coord_gt = jax.random.normal(k2, (B, V, D), dtype=jnp.float32)
    valid = jax.random.uniform(k3, (B, V, 1), dtype=jnp.float32)
    face = jax.random.randint(k4, (NF, 3), 0, V, dtype=jnp.int32)
    return {"coord_out": coord_out, "coord_gt": coord_gt, "valid": valid, "face": face}


def reference(coord_out, coord_gt, valid, face):
    f0 = face[:, 0]
    f1 = face[:, 1]
    f2 = face[:, 2]

    # predicted edge directions
    v1_out = _normalize(jnp.take(coord_out, f1, axis=1) - jnp.take(coord_out, f0, axis=1))
    v2_out = _normalize(jnp.take(coord_out, f2, axis=1) - jnp.take(coord_out, f0, axis=1))
    v3_out = _normalize(jnp.take(coord_out, f2, axis=1) - jnp.take(coord_out, f1, axis=1))

    # ground-truth face normal
    v1_gt = _normalize(jnp.take(coord_gt, f1, axis=1) - jnp.take(coord_gt, f0, axis=1))
    v2_gt = _normalize(jnp.take(coord_gt, f2, axis=1) - jnp.take(coord_gt, f0, axis=1))
    normal_gt = _normalize(jnp.cross(v1_gt, v2_gt, axis=2))

    valid_mask = (jnp.take(valid, f0, axis=1)
                  * jnp.take(valid, f1, axis=1)
                  * jnp.take(valid, f2, axis=1))

    cos1 = jnp.abs(jnp.sum(v1_out * normal_gt, axis=2, keepdims=True)) * valid_mask
    cos2 = jnp.abs(jnp.sum(v2_out * normal_gt, axis=2, keepdims=True)) * valid_mask
    cos3 = jnp.abs(jnp.sum(v3_out * normal_gt, axis=2, keepdims=True)) * valid_mask

    loss = jnp.concatenate((cos1, cos2, cos3), axis=1)
    return loss

if __name__ == "__main__":
    import jax
    _d = setup_inputs()
    print(jax.jit(kernel)(*tuple(_d.values())))

</pallas_src>

<mosaic_0001>
#map = affine_map<(d0, d1) -> (0, 0)>
#map1 = affine_map<(d0, d1) -> (0)>
#map2 = affine_map<(d0, d1) -> (0, 0, 0)>
module attributes {stable_mosaic.version = 14 : i64} {
  func.func @k(%arg0: i32, %arg1: i32, %arg2: memref<50000x112xf32, #tpu.memory_space<hbm>>, %arg3: memref<300000xi32, #tpu.memory_space<hbm>>, %arg4: memref<16x3x100000xf32, #tpu.memory_space<hbm>>, %arg5: memref<120xi32, #tpu.memory_space<vmem>>, %arg6: memref<120x112xf32, #tpu.memory_space<vmem>>, %arg7: memref<16x3x40xf32, #tpu.memory_space<vmem>>, %arg8: memref<!tpu.dma_semaphore, #tpu.memory_space<semaphore_mem>>) attributes {dimension_semantics = [#tpu.dimension_semantics<core_parallel>, #tpu.dimension_semantics<subcore_parallel>], iteration_bounds = array<i64: 2, 16>, scalar_prefetch = 0 : i64, scratch_operands = 4 : i64, tpu.core_type = #tpu.core_type<sc_vector_subcore>, window_params = [{transform_indices = #map}, {transform_indices = #map1}, {transform_indices = #map2}]} {
    %mul3A = arith.constant 2 : i32
    %mul3A_0 = arith.muli %arg1, %mul3A : i32
    %add3A = arith.addi %mul3A_0, %arg0 : i32
    %sub3A = arith.constant 2500 : i32
    %sub3A_1 = arith.subi %sub3A, %add3A : i32
    %add3A_2 = arith.constant 32 : i32
    %add3A_3 = arith.addi %sub3A_1, %add3A_2 : i32
    %sub3A_4 = arith.constant 1 : i32
    %sub3A_5 = arith.subi %add3A_3, %sub3A_4 : i32
    %jit3A = arith.constant 32 : i32
    %div3A = arith.divsi %sub3A_5, %jit3A : i32
    %sign3A = arith.constant 0 : i32
    %sign3A_6 = arith.cmpi sgt, %sub3A_5, %sign3A : i32
    %sign3A_7 = arith.extui %sign3A_6 : i1 to i32
    %sign3A_8 = arith.constant 0 : i32
    %sign3A_9 = arith.cmpi slt, %sub3A_5, %sign3A_8 : i32
    %sign3A_10 = arith.extui %sign3A_9 : i1 to i32
    %sign3A_11 = arith.subi %sign3A_7, %sign3A_10 : i32
    %sign3A_12 = arith.constant 0 : i32
    %sign3A_13 = arith.cmpi sgt, %jit3A, %sign3A_12 : i32
    %sign3A_14 = arith.extui %sign3A_13 : i1 to i32
    %sign3A_15 = arith.constant 0 : i32
    %sign3A_16 = arith.cmpi slt, %jit3A, %sign3A_15 : i32
    %sign3A_17 = arith.extui %sign3A_16 : i1 to i32
    %sign3A_18 = arith.subi %sign3A_14, %sign3A_17 : i32
    %ne3A = arith.cmpi ne, %sign3A_11, %sign3A_18 : i32
    %rem3A = arith.remsi %sub3A_5, %jit3A : i32
    %ne3A_19 = arith.constant 0 : i32
    %ne3A_20 = arith.cmpi ne, %rem3A, %ne3A_19 : i32
    %and3A = arith.andi %ne3A, %ne3A_20 : i1
    %sub3A_21 = arith.constant 1 : i32
    %sub3A_22 = arith.subi %div3A, %sub3A_21 : i32
    %select_n3A = arith.select %and3A, %sub3A_22, %div3A : i32
    %iota3A = tpu.iota {dimensions = array<i32: 0>} : vector<16xi32>
    %while3A = arith.constant 0 : i32
    %while3A_23 = arith.constant 0 : i32
    %while3A_24 = arith.subi %select_n3A, %while3A_23 : i32
    %while3A_25 = arith.addi %while3A_23, %while3A_24 : i32
    %while3A_26 = arith.constant 1 : i32
    %while3A_27 = arith.divsi %while3A_24, %while3A_26 : i32
    %while3A_28 = arith.muli %while3A_27, %while3A_26 : i32
    %while3A_29 = arith.addi %while3A_23, %while3A_28 : i32
    %while3A_30 = arith.constant 1 : i32
    scf.for %while3A_32 = %while3A_23 to %while3A_29 step %while3A_30  : i32 {
      %mul3A_33 = arith.constant 32 : i32
      %mul3A_34 = arith.muli %while3A_32, %mul3A_33 : i32
      %add3A_35 = arith.addi %add3A, %mul3A_34 : i32
      %mul3A_36 = arith.constant 120 : i32
      %mul3A_37 = arith.muli %add3A_35, %mul3A_36 : i32
      "tpu.region"() ({
        %run_scoped3A = tpu.sem_alloc : memref<!tpu.dma_semaphore, #tpu.memory_space<semaphore_mem>>
        %dma_start3A_46 = tpu.memref_slice %arg3[%mul3A_37] : memref<300000xi32, #tpu.memory_space<hbm>> -> memref<120xi32, #tpu.memory_space<hbm>>
        %dma_start3A_47 = tpu.memref_slice %arg3[%mul3A_37] : memref<300000xi32, #tpu.memory_space<hbm>> -> memref<120xi32, #tpu.memory_space<hbm>>
        tpu.enqueue_dma source(%dma_start3A_47 : memref<120xi32, #tpu.memory_space<hbm>>) target(%arg5 : memref<120xi32, #tpu.memory_space<vmem>>) target_semaphore(%run_scoped3A : memref<!tpu.dma_semaphore, #tpu.memory_space<semaphore_mem>>)
        %dma_wait3A_48 = tpu.memref_slice %arg3[%mul3A_37] : memref<300000xi32, #tpu.memory_space<hbm>> -> memref<120xi32, #tpu.memory_space<hbm>>
        %dma_wait3A_49 = tpu.memref_slice %arg3[%mul3A_37] : memref<300000xi32, #tpu.memory_space<hbm>> -> memref<120xi32, #tpu.memory_space<hbm>>
        tpu.wait_dma2 semaphore(%run_scoped3A : memref<!tpu.dma_semaphore, #tpu.memory_space<semaphore_mem>>) src(%dma_wait3A_49 : memref<120xi32, #tpu.memory_space<hbm>>) dst(%arg5 : memref<120xi32, #tpu.memory_space<vmem>>)
        tpu.yield
      }) : () -> ()
      %dma_start3A = arith.constant 0 : i32
      %dma_start3A_38 = arith.constant 0 : i32
      %dma_start3A_39 = tpu.memref_slice %arg2[%dma_start3A, %dma_start3A_38] : memref<50000x112xf32, #tpu.memory_space<hbm>> -> memref<50000x112xf32, #tpu.memory_space<hbm>>
      tpu.enqueue_indirect_dma source(%dma_start3A_39 : memref<50000x112xf32, #tpu.memory_space<hbm>>) target(%arg6 : memref<120x112xf32, #tpu.memory_space<vmem>>) offsets(%arg5 : memref<120xi32, #tpu.memory_space<vmem>>) semaphore(%arg8 : memref<!tpu.dma_semaphore, #tpu.memory_space<semaphore_mem>>)
      %dma_wait3A = arith.constant 0 : i32
      %dma_wait3A_40 = arith.constant 0 : i32
      %dma_wait3A_41 = tpu.memref_slice %arg2[%dma_wait3A, %dma_wait3A_40] : memref<50000x112xf32, #tpu.memory_space<hbm>> -> memref<50000x112xf32, #tpu.memory_space<hbm>>
      tpu.wait_indirect_dma semaphore(%arg8 : memref<!tpu.dma_semaphore, #tpu.memory_space<semaphore_mem>>) src(%dma_wait3A_41 : memref<50000x112xf32, #tpu.memory_space<hbm>>) dst(%arg6 : memref<120x112xf32, #tpu.memory_space<vmem>>)
      %parallel_loop3A = arith.constant 0 : i32
      %parallel_loop3A_42 = arith.constant 40 : i32
      %parallel_loop3A_43 = arith.constant 1 : i32
      scf.for %parallel_loop3A_46 = %parallel_loop3A to %parallel_loop3A_42 step %parallel_loop3A_43  : i32 {
        %parallel_loop3A_47 = arith.constant 3 : i32
        %parallel_loop3A_48 = arith.muli %parallel_loop3A_47, %parallel_loop3A_46 : i32
        %parallel_loop3A_49 = arith.constant 1 : i32
        %parallel_loop3A_50 = arith.addi %parallel_loop3A_48, %parallel_loop3A_49 : i32
        %parallel_loop3A_51 = arith.constant 2 : i32
        %parallel_loop3A_52 = arith.addi %parallel_loop3A_48, %parallel_loop3A_51 : i32
        %parallel_loop3A_53 = arith.index_cast %parallel_loop3A_48 : i32 to index
        %parallel_loop3A_54 = arith.constant 0 : index
        %parallel_loop3A_55 = tpu.vector_load %arg6[%parallel_loop3A_53, %parallel_loop3A_54] {strides = array<i32>} : memref<120x112xf32, #tpu.memory_space<vmem>>, vector<16xf32>,
        %parallel_loop3A_56 = arith.index_cast %parallel_loop3A_48 : i32 to index
        %parallel_loop3A_57 = arith.constant 16 : index
        %parallel_loop3A_58 = tpu.vector_load %arg6[%parallel_loop3A_56, %parallel_loop3A_57] {strides = array<i32>} : memref<120x112xf32, #tpu.memory_space<vmem>>, vector<16xf32>,
        %parallel_loop3A_59 = arith.index_cast %parallel_loop3A_48 : i32 to index
        %parallel_loop3A_60 = arith.constant 32 : index
        %parallel_loop3A_61 = tpu.vector_load %arg6[%parallel_loop3A_59, %parallel_loop3A_60] {strides = array<i32>} : memref<120x112xf32, #tpu.memory_space<vmem>>, vector<16xf32>,
        %parallel_loop3A_62 = arith.index_cast %parallel_loop3A_50 : i32 to index
        %parallel_loop3A_63 = arith.constant 0 : index
        %parallel_loop3A_64 = tpu.vector_load %arg6[%parallel_loop3A_62, %parallel_loop3A_63] {strides = array<i32>} : memref<120x112xf32, #tpu.memory_space<vmem>>, vector<16xf32>,
        %parallel_loop3A_65 = arith.index_cast %parallel_loop3A_50 : i32 to index
        %parallel_loop3A_66 = arith.constant 16 : index
        %parallel_loop3A_67 = tpu.vector_load %arg6[%parallel_loop3A_65, %parallel_loop3A_66] {strides = array<i32>} : memref<120x112xf32, #tpu.memory_space<vmem>>, vector<16xf32>,
        %parallel_loop3A_68 = arith.index_cast %parallel_loop3A_50 : i32 to index
        %parallel_loop3A_69 = arith.constant 32 : index
        %parallel_loop3A_70 = tpu.vector_load %arg6[%parallel_loop3A_68, %parallel_loop3A_69] {strides = array<i32>} : memref<120x112xf32, #tpu.memory_space<vmem>>, vector<16xf32>,
        %parallel_loop3A_71 = arith.index_cast %parallel_loop3A_52 : i32 to index
        %parallel_loop3A_72 = arith.constant 0 : index
        %parallel_loop3A_73 = tpu.vector_load %arg6[%parallel_loop3A_71, %parallel_loop3A_72] {strides = array<i32>} : memref<120x112xf32, #tpu.memory_space<vmem>>, vector<16xf32>,
        %parallel_loop3A_74 = arith.index_cast %parallel_loop3A_52 : i32 to index
        %parallel_loop3A_75 = arith.constant 16 : index
        %parallel_loop3A_76 = tpu.vector_load %arg6[%parallel_loop3A_74, %parallel_loop3A_75] {strides = array<i32>} : memref<120x112xf32, #tpu.memory_space<vmem>>, vector<16xf32>,
        %parallel_loop3A_77 = arith.index_cast %parallel_loop3A_52 : i32 to index
        %parallel_loop3A_78 = arith.constant 32 : index
        %parallel_loop3A_79 = tpu.vector_load %arg6[%parallel_loop3A_77, %parallel_loop3A_78] {strides = array<i32>} : memref<120x112xf32, #tpu.memory_space<vmem>>, vector<16xf32>,
        %parallel_loop3A_80 = arith.index_cast %parallel_loop3A_48 : i32 to index
        %parallel_loop3A_81 = arith.constant 48 : index
        %parallel_loop3A_82 = tpu.vector_load %arg6[%parallel_loop3A_80, %parallel_loop3A_81] {strides = array<i32>} : memref<120x112xf32, #tpu.memory_space<vmem>>, vector<16xf32>,
        %parallel_loop3A_83 = arith.index_cast %parallel_loop3A_48 : i32 to index
        %parallel_loop3A_84 = arith.constant 64 : index
        %parallel_loop3A_85 = tpu.vector_load %arg6[%parallel_loop3A_83, %parallel_loop3A_84] {strides = array<i32>} : memref<120x112xf32, #tpu.memory_space<vmem>>, vector<16xf32>,
        %parallel_loop3A_86 = arith.index_cast %parallel_loop3A_48 : i32 to index
        %parallel_loop3A_87 = arith.constant 80 : index
        %parallel_loop3A_88 = tpu.vector_load %arg6[%parallel_loop3A_86, %parallel_loop3A_87] {strides = array<i32>} : memref<120x112xf32, #tpu.memory_space<vmem>>, vector<16xf32>,
        %parallel_loop3A_89 = arith.index_cast %parallel_loop3A_50 : i32 to index
        %parallel_loop3A_90 = arith.constant 48 : index
        %parallel_loop3A_91 = tpu.vector_load %arg6[%parallel_loop3A_89, %parallel_loop3A_90] {strides = array<i32>} : memref<120x112xf32, #tpu.memory_space<vmem>>, vector<16xf32>,
        %parallel_loop3A_92 = arith.index_cast %parallel_loop3A_50 : i32 to index
        %parallel_loop3A_93 = arith.constant 64 : index
        %parallel_loop3A_94 = tpu.vector_load %arg6[%parallel_loop3A_92, %parallel_loop3A_93] {strides = array<i32>} : memref<120x112xf32, #tpu.memory_space<vmem>>, vector<16xf32>,
        %parallel_loop3A_95 = arith.index_cast %parallel_loop3A_50 : i32 to index
        %parallel_loop3A_96 = arith.constant 80 : index
        %parallel_loop3A_97 = tpu.vector_load %arg6[%parallel_loop3A_95, %parallel_loop3A_96] {strides = array<i32>} : memref<120x112xf32, #tpu.memory_space<vmem>>, vector<16xf32>,
        %parallel_loop3A_98 = arith.index_cast %parallel_loop3A_52 : i32 to index
        %parallel_loop3A_99 = arith.constant 48 : index
        %parallel_loop3A_100 = tpu.vector_load %arg6[%parallel_loop3A_98, %parallel_loop3A_99] {strides = array<i32>} : memref<120x112xf32, #tpu.memory_space<vmem>>, vector<16xf32>,
        %parallel_loop3A_101 = arith.index_cast %parallel_loop3A_52 : i32 to index
        %parallel_loop3A_102 = arith.constant 64 : index
        %parallel_loop3A_103 = tpu.vector_load %arg6[%parallel_loop3A_101, %parallel_loop3A_102] {strides = array<i32>} : memref<120x112xf32, #tpu.memory_space<vmem>>, vector<16xf32>,
        %parallel_loop3A_104 = arith.index_cast %parallel_loop3A_52 : i32 to index
        %parallel_loop3A_105 = arith.constant 80 : index
        %parallel_loop3A_106 = tpu.vector_load %arg6[%parallel_loop3A_104, %parallel_loop3A_105] {strides = array<i32>} : memref<120x112xf32, #tpu.memory_space<vmem>>, vector<16xf32>,
        %parallel_loop3A_107 = arith.index_cast %parallel_loop3A_48 : i32 to index
        %parallel_loop3A_108 = arith.constant 96 : index
        %parallel_loop3A_109 = tpu.vector_load %arg6[%parallel_loop3A_107, %parallel_loop3A_108] {strides = array<i32>} : memref<120x112xf32, #tpu.memory_space<vmem>>, vector<16xf32>,
        %parallel_loop3A_110 = arith.index_cast %parallel_loop3A_50 : i32 to index
        %parallel_loop3A_111 = arith.constant 96 : index
        %parallel_loop3A_112 = tpu.vector_load %arg6[%parallel_loop3A_110, %parallel_loop3A_111] {strides = array<i32>} : memref<120x112xf32, #tpu.memory_space<vmem>>, vector<16xf32>,
        %parallel_loop3A_113 = arith.mulf %parallel_loop3A_109, %parallel_loop3A_112 : vector<16xf32>
        %parallel_loop3A_114 = arith.index_cast %parallel_loop3A_52 : i32 to index
        %parallel_loop3A_115 = arith.constant 96 : index
        %parallel_loop3A_116 = tpu.vector_load %arg6[%parallel_loop3A_114, %parallel_loop3A_115] {strides = array<i32>} : memref<120x112xf32, #tpu.memory_space<vmem>>, vector<16xf32>,
        %parallel_loop3A_117 = arith.mulf %parallel_loop3A_113, %parallel_loop3A_116 : vector<16xf32>
        %parallel_loop3A_118 = arith.subf %parallel_loop3A_64, %parallel_loop3A_55 : vector<16xf32>
        %parallel_loop3A_119 = arith.subf %parallel_loop3A_67, %parallel_loop3A_58 : vector<16xf32>
        %parallel_loop3A_120 = arith.subf %parallel_loop3A_70, %parallel_loop3A_61 : vector<16xf32>
        %parallel_loop3A_121 = arith.subf %parallel_loop3A_73, %parallel_loop3A_55 : vector<16xf32>
        %parallel_loop3A_122 = arith.subf %parallel_loop3A_76, %parallel_loop3A_58 : vector<16xf32>
        %parallel_loop3A_123 = arith.subf %parallel_loop3A_79, %parallel_loop3A_61 : vector<16xf32>
        %parallel_loop3A_124 = arith.subf %parallel_loop3A_121, %parallel_loop3A_118 : vector<16xf32>
        %parallel_loop3A_125 = arith.subf %parallel_loop3A_122, %parallel_loop3A_119 : vector<16xf32>
        %parallel_loop3A_126 = arith.subf %parallel_loop3A_123, %parallel_loop3A_120 : vector<16xf32>
        %parallel_loop3A_127 = arith.subf %parallel_loop3A_91, %parallel_loop3A_82 : vector<16xf32>
        %parallel_loop3A_128 = arith.subf %parallel_loop3A_94, %parallel_loop3A_85 : vector<16xf32>
        %parallel_loop3A_129 = arith.subf %parallel_loop3A_97, %parallel_loop3A_88 : vector<16xf32>
        %parallel_loop3A_130 = arith.subf %parallel_loop3A_100, %parallel_loop3A_82 : vector<16xf32>
        %parallel_loop3A_131 = arith.subf %parallel_loop3A_103, %parallel_loop3A_85 : vector<16xf32>
        %parallel_loop3A_132 = arith.subf %parallel_loop3A_106, %parallel_loop3A_88 : vector<16xf32>
        %parallel_loop3A_133 = arith.mulf %parallel_loop3A_128, %parallel_loop3A_132 : vector<16xf32>
        %parallel_loop3A_134 = arith.mulf %parallel_loop3A_129, %parallel_loop3A_131 : vector<16xf32>
        %parallel_loop3A_135 = arith.subf %parallel_loop3A_133, %parallel_loop3A_134 : vector<16xf32>
        %parallel_loop3A_136 = arith.mulf %parallel_loop3A_129, %parallel_loop3A_130 : vector<16xf32>
        %parallel_loop3A_137 = arith.mulf %parallel_loop3A_127, %parallel_loop3A_132 : vector<16xf32>
        %parallel_loop3A_138 = arith.subf %parallel_loop3A_136, %parallel_loop3A_137 : vector<16xf32>
        %parallel_loop3A_139 = arith.mulf %parallel_loop3A_127, %parallel_loop3A_131 : vector<16xf32>
        %parallel_loop3A_140 = arith.mulf %parallel_loop3A_128, %parallel_loop3A_130 : vector<16xf32>
        %parallel_loop3A_141 = arith.subf %parallel_loop3A_139, %parallel_loop3A_140 : vector<16xf32>
        %parallel_loop3A_142 = arith.mulf %parallel_loop3A_135, %parallel_loop3A_135 : vector<16xf32>
        %parallel_loop3A_143 = arith.mulf %parallel_loop3A_138, %parallel_loop3A_138 : vector<16xf32>
        %parallel_loop3A_144 = arith.addf %parallel_loop3A_142, %parallel_loop3A_143 : vector<16xf32>
        %parallel_loop3A_145 = arith.mulf %parallel_loop3A_141, %parallel_loop3A_141 : vector<16xf32>
        %parallel_loop3A_146 = arith.addf %parallel_loop3A_144, %parallel_loop3A_145 : vector<16xf32>
        %parallel_loop3A_147 = arith.constant 1.000000e-24 : f32
        %parallel_loop3A_148 = vector.broadcast %parallel_loop3A_147 : f32 to vector<16xf32>
        %parallel_loop3A_149 = arith.maximumf %parallel_loop3A_146, %parallel_loop3A_148 : vector<16xf32>
        %parallel_loop3A_150 = arith.mulf %parallel_loop3A_118, %parallel_loop3A_135 : vector<16xf32>
        %parallel_loop3A_151 = arith.mulf %parallel_loop3A_119, %parallel_loop3A_138 : vector<16xf32>
        %parallel_loop3A_152 = arith.addf %parallel_loop3A_150, %parallel_loop3A_151 : vector<16xf32>
        %parallel_loop3A_153 = arith.mulf %parallel_loop3A_120, %parallel_loop3A_141 : vector<16xf32>
        %parallel_loop3A_154 = arith.addf %parallel_loop3A_152, %parallel_loop3A_153 : vector<16xf32>
        %parallel_loop3A_155 = arith.mulf %parallel_loop3A_121, %parallel_loop3A_135 : vector<16xf32>
        %parallel_loop3A_156 = arith.mulf %parallel_loop3A_122, %parallel_loop3A_138 : vector<16xf32>
        %parallel_loop3A_157 = arith.addf %parallel_loop3A_155, %parallel_loop3A_156 : vector<16xf32>
        %parallel_loop3A_158 = arith.mulf %parallel_loop3A_123, %parallel_loop3A_141 : vector<16xf32>
        %parallel_loop3A_159 = arith.addf %parallel_loop3A_157, %parallel_loop3A_158 : vector<16xf32>
        %parallel_loop3A_160 = arith.subf %parallel_loop3A_159, %parallel_loop3A_154 : vector<16xf32>
        %parallel_loop3A_161 = math.absf %parallel_loop3A_154 : vector<16xf32>
        %parallel_loop3A_162 = arith.mulf %parallel_loop3A_118, %parallel_loop3A_118 : vector<16xf32>
        %parallel_loop3A_163 = arith.mulf %parallel_loop3A_119, %parallel_loop3A_119 : vector<16xf32>
        %parallel_loop3A_164 = arith.addf %parallel_loop3A_162, %parallel_loop3A_163 : vector<16xf32>
        %parallel_loop3A_165 = arith.mulf %parallel_loop3A_120, %parallel_loop3A_120 : vector<16xf32>
        %parallel_loop3A_166 = arith.addf %parallel_loop3A_164, %parallel_loop3A_165 : vector<16xf32>
        %parallel_loop3A_167 = arith.constant 1.000000e-24 : f32
        %parallel_loop3A_168 = vector.broadcast %parallel_loop3A_167 : f32 to vector<16xf32>
        %parallel_loop3A_169 = arith.maximumf %parallel_loop3A_166, %parallel_loop3A_168 : vector<16xf32>
        %parallel_loop3A_170 = arith.mulf %parallel_loop3A_169, %parallel_loop3A_149 : vector<16xf32>
        %parallel_loop3A_171 = tpu.bitcast %parallel_loop3A_170 : vector<16xf32> -> vector<16xi32>
        %parallel_loop3A_172 = arith.constant 1 : i32
        %parallel_loop3A_173 = vector.broadcast %parallel_loop3A_172 : i32 to vector<16xi32>
        %parallel_loop3A_174 = arith.shrsi %parallel_loop3A_171, %parallel_loop3A_173 : vector<16xi32>
        %parallel_loop3A_175 = arith.constant 1597463007 : i32
        %parallel_loop3A_176 = vector.broadcast %parallel_loop3A_175 : i32 to vector<16xi32>
        %parallel_loop3A_177 = arith.subi %parallel_loop3A_176, %parallel_loop3A_174 : vector<16xi32>
        %parallel_loop3A_178 = tpu.bitcast %parallel_loop3A_177 : vector<16xi32> -> vector<16xf32>
        %parallel_loop3A_179 = arith.constant 5.000000e-01 : f32
        %parallel_loop3A_180 = vector.broadcast %parallel_loop3A_179 : f32 to vector<16xf32>
        %parallel_loop3A_181 = arith.mulf %parallel_loop3A_180, %parallel_loop3A_170 : vector<16xf32>
        %parallel_loop3A_182 = arith.mulf %parallel_loop3A_181, %parallel_loop3A_178 : vector<16xf32>
        %parallel_loop3A_183 = arith.mulf %parallel_loop3A_182, %parallel_loop3A_178 : vector<16xf32>
        %parallel_loop3A_184 = arith.constant 1.500000e+00 : f32
        %parallel_loop3A_185 = vector.broadcast %parallel_loop3A_184 : f32 to vector<16xf32>
        %parallel_loop3A_186 = arith.subf %parallel_loop3A_185, %parallel_loop3A_183 : vector<16xf32>
        %parallel_loop3A_187 = arith.mulf %parallel_loop3A_178, %parallel_loop3A_186 : vector<16xf32>
        %parallel_loop3A_188 = arith.mulf %parallel_loop3A_181, %parallel_loop3A_187 : vector<16xf32>
        %parallel_loop3A_189 = arith.mulf %parallel_loop3A_188, %parallel_loop3A_187 : vector<16xf32>
        %parallel_loop3A_190 = arith.constant 1.500000e+00 : f32
        %parallel_loop3A_191 = vector.broadcast %parallel_loop3A_190 : f32 to vector<16xf32>
        %parallel_loop3A_192 = arith.subf %parallel_loop3A_191, %parallel_loop3A_189 : vector<16xf32>
        %parallel_loop3A_193 = arith.mulf %parallel_loop3A_187, %parallel_loop3A_192 : vector<16xf32>
        %parallel_loop3A_194 = arith.mulf %parallel_loop3A_161, %parallel_loop3A_193 : vector<16xf32>
        %parallel_loop3A_195 = arith.mulf %parallel_loop3A_194, %parallel_loop3A_117 : vector<16xf32>
        %parallel_loop3A_196 = math.absf %parallel_loop3A_159 : vector<16xf32>
        %parallel_loop3A_197 = arith.mulf %parallel_loop3A_121, %parallel_loop3A_121 : vector<16xf32>
        %parallel_loop3A_198 = arith.mulf %parallel_loop3A_122, %parallel_loop3A_122 : vector<16xf32>
        %parallel_loop3A_199 = arith.addf %parallel_loop3A_197, %parallel_loop3A_198 : vector<16xf32>
        %parallel_loop3A_200 = arith.mulf %parallel_loop3A_123, %parallel_loop3A_123 : vector<16xf32>
        %parallel_loop3A_201 = arith.addf %parallel_loop3A_199, %parallel_loop3A_200 : vector<16xf32>
        %parallel_loop3A_202 = arith.constant 1.000000e-24 : f32
        %parallel_loop3A_203 = vector.broadcast %parallel_loop3A_202 : f32 to vector<16xf32>
        %parallel_loop3A_204 = arith.maximumf %parallel_loop3A_201, %parallel_loop3A_203 : vector<16xf32>
        %parallel_loop3A_205 = arith.mulf %parallel_loop3A_204, %parallel_loop3A_149 : vector<16xf32>
        %parallel_loop3A_206 = tpu.bitcast %parallel_loop3A_205 : vector<16xf32> -> vector<16xi32>
        %parallel_loop3A_207 = arith.constant 1 : i32
        %parallel_loop3A_208 = vector.broadcast %parallel_loop3A_207 : i32 to vector<16xi32>
        %parallel_loop3A_209 = arith.shrsi %parallel_loop3A_206, %parallel_loop3A_208 : vector<16xi32>
        %parallel_loop3A_210 = arith.constant 1597463007 : i32
        %parallel_loop3A_211 = vector.broadcast %parallel_loop3A_210 : i32 to vector<16xi32>
        %parallel_loop3A_212 = arith.subi %parallel_loop3A_211, %parallel_loop3A_209 : vector<16xi32>
        %parallel_loop3A_213 = tpu.bitcast %parallel_loop3A_212 : vector<16xi32> -> vector<16xf32>
        %parallel_loop3A_214 = arith.constant 5.000000e-01 : f32
        %parallel_loop3A_215 = vector.broadcast %parallel_loop3A_214 : f32 to vector<16xf32>
        %parallel_loop3A_216 = arith.mulf %parallel_loop3A_215, %parallel_loop3A_205 : vector<16xf32>
        %parallel_loop3A_217 = arith.mulf %parallel_loop3A_216, %parallel_loop3A_213 : vector<16xf32>
        %parallel_loop3A_218 = arith.mulf %parallel_loop3A_217, %parallel_loop3A_213 : vector<16xf32>
        %parallel_loop3A_219 = arith.constant 1.500000e+00 : f32
        %parallel_loop3A_220 = vector.broadcast %parallel_loop3A_219 : f32 to vector<16xf32>
        %parallel_loop3A_221 = arith.subf %parallel_loop3A_220, %parallel_loop3A_218 : vector<16xf32>
        %parallel_loop3A_222 = arith.mulf %parallel_loop3A_213, %parallel_loop3A_221 : vector<16xf32>
        %parallel_loop3A_223 = arith.mulf %parallel_loop3A_216, %parallel_loop3A_222 : vector<16xf32>
        %parallel_loop3A_224 = arith.mulf %parallel_loop3A_223, %parallel_loop3A_222 : vector<16xf32>
        %parallel_loop3A_225 = arith.constant 1.500000e+00 : f32
        %parallel_loop3A_226 = vector.broadcast %parallel_loop3A_225 : f32 to vector<16xf32>
        %parallel_loop3A_227 = arith.subf %parallel_loop3A_226, %parallel_loop3A_224 : vector<16xf32>
        %parallel_loop3A_228 = arith.mulf %parallel_loop3A_222, %parallel_loop3A_227 : vector<16xf32>
        %parallel_loop3A_229 = arith.mulf %parallel_loop3A_196, %parallel_loop3A_228 : vector<16xf32>
        %parallel_loop3A_230 = arith.mulf %parallel_loop3A_229, %parallel_loop3A_117 : vector<16xf32>
        %parallel_loop3A_231 = math.absf %parallel_loop3A_160 : vector<16xf32>
        %parallel_loop3A_232 = arith.mulf %parallel_loop3A_124, %parallel_loop3A_124 : vector<16xf32>
        %parallel_loop3A_233 = arith.mulf %parallel_loop3A_125, %parallel_loop3A_125 : vector<16xf32>
        %parallel_loop3A_234 = arith.addf %parallel_loop3A_232, %parallel_loop3A_233 : vector<16xf32>
        %parallel_loop3A_235 = arith.mulf %parallel_loop3A_126, %parallel_loop3A_126 : vector<16xf32>
        %parallel_loop3A_236 = arith.addf %parallel_loop3A_234, %parallel_loop3A_235 : vector<16xf32>
        %parallel_loop3A_237 = arith.constant 1.000000e-24 : f32
        %parallel_loop3A_238 = vector.broadcast %parallel_loop3A_237 : f32 to vector<16xf32>
        %parallel_loop3A_239 = arith.maximumf %parallel_loop3A_236, %parallel_loop3A_238 : vector<16xf32>
        %parallel_loop3A_240 = arith.mulf %parallel_loop3A_239, %parallel_loop3A_149 : vector<16xf32>
        %parallel_loop3A_241 = tpu.bitcast %parallel_loop3A_240 : vector<16xf32> -> vector<16xi32>
        %parallel_loop3A_242 = arith.constant 1 : i32
        %parallel_loop3A_243 = vector.broadcast %parallel_loop3A_242 : i32 to vector<16xi32>
        %parallel_loop3A_244 = arith.shrsi %parallel_loop3A_241, %parallel_loop3A_243 : vector<16xi32>
        %parallel_loop3A_245 = arith.constant 1597463007 : i32
        %parallel_loop3A_246 = vector.broadcast %parallel_loop3A_245 : i32 to vector<16xi32>
        %parallel_loop3A_247 = arith.subi %parallel_loop3A_246, %parallel_loop3A_244 : vector<16xi32>
        %parallel_loop3A_248 = tpu.bitcast %parallel_loop3A_247 : vector<16xi32> -> vector<16xf32>
        %parallel_loop3A_249 = arith.constant 5.000000e-01 : f32
        %parallel_loop3A_250 = vector.broadcast %parallel_loop3A_249 : f32 to vector<16xf32>
        %parallel_loop3A_251 = arith.mulf %parallel_loop3A_250, %parallel_loop3A_240 : vector<16xf32>
        %parallel_loop3A_252 = arith.mulf %parallel_loop3A_251, %parallel_loop3A_248 : vector<16xf32>
        %parallel_loop3A_253 = arith.mulf %parallel_loop3A_252, %parallel_loop3A_248 : vector<16xf32>
        %parallel_loop3A_254 = arith.constant 1.500000e+00 : f32
        %parallel_loop3A_255 = vector.broadcast %parallel_loop3A_254 : f32 to vector<16xf32>
        %parallel_loop3A_256 = arith.subf %parallel_loop3A_255, %parallel_loop3A_253 : vector<16xf32>
        %parallel_loop3A_257 = arith.mulf %parallel_loop3A_248, %parallel_loop3A_256 : vector<16xf32>
        %parallel_loop3A_258 = arith.mulf %parallel_loop3A_251, %parallel_loop3A_257 : vector<16xf32>
        %parallel_loop3A_259 = arith.mulf %parallel_loop3A_258, %parallel_loop3A_257 : vector<16xf32>
        %parallel_loop3A_260 = arith.constant 1.500000e+00 : f32
        %parallel_loop3A_261 = vector.broadcast %parallel_loop3A_260 : f32 to vector<16xf32>
        %parallel_loop3A_262 = arith.subf %parallel_loop3A_261, %parallel_loop3A_259 : vector<16xf32>
        %parallel_loop3A_263 = arith.mulf %parallel_loop3A_257, %parallel_loop3A_262 : vector<16xf32>
        %parallel_loop3A_264 = arith.mulf %parallel_loop3A_231, %parallel_loop3A_263 : vector<16xf32>
        %parallel_loop3A_265 = arith.mulf %parallel_loop3A_264, %parallel_loop3A_117 : vector<16xf32>
        %parallel_loop3A_266 = vector.broadcast %parallel_loop3A_46 : i32 to vector<16xi32>
        %parallel_loop3A_267 = arith.constant 0 : i32
        %parallel_loop3A_268 = vector.broadcast %parallel_loop3A_267 : i32 to vector<16xi32>
        tpu.vector_store_idx %arg7[%iota3A, %parallel_loop3A_268, %parallel_loop3A_266], %parallel_loop3A_195 : memref<16x3x40xf32, #tpu.memory_space<vmem>>[vector<16xi32>, vector<16xi32>, vector<16xi32>], vector<16xf32>,
        %parallel_loop3A_269 = arith.constant 1 : i32
        %parallel_loop3A_270 = vector.broadcast %parallel_loop3A_269 : i32 to vector<16xi32>
        tpu.vector_store_idx %arg7[%iota3A, %parallel_loop3A_270, %parallel_loop3A_266], %parallel_loop3A_230 : memref<16x3x40xf32, #tpu.memory_space<vmem>>[vector<16xi32>, vector<16xi32>, vector<16xi32>], vector<16xf32>,
        %parallel_loop3A_271 = arith.constant 2 : i32
        %parallel_loop3A_272 = vector.broadcast %parallel_loop3A_271 : i32 to vector<16xi32>
        tpu.vector_store_idx %arg7[%iota3A, %parallel_loop3A_272, %parallel_loop3A_266], %parallel_loop3A_265 : memref<16x3x40xf32, #tpu.memory_space<vmem>>[vector<16xi32>, vector<16xi32>, vector<16xi32>], vector<16xf32>,
      } {sc.loop_unroll_factor = 4 : i64, sc.parallel_access}
      %mul3A_44 = arith.constant 40 : i32
      %mul3A_45 = arith.muli %add3A_35, %mul3A_44 : i32
      "tpu.region"() ({
        %run_scoped3A = tpu.sem_alloc : memref<!tpu.dma_semaphore, #tpu.memory_space<semaphore_mem>>
        %dma_start3A_46 = arith.constant 0 : i32
        %dma_start3A_47 = arith.constant 0 : i32
        %dma_start3A_48 = tpu.memref_slice %arg4[%dma_start3A_46, %dma_start3A_47, %mul3A_45] : memref<16x3x100000xf32, #tpu.memory_space<hbm>> -> memref<16x3x40xf32, #tpu.memory_space<hbm>>
        %dma_start3A_49 = arith.constant 0 : i32
        %dma_start3A_50 = arith.constant 0 : i32
        %dma_start3A_51 = tpu.memref_slice %arg4[%dma_start3A_49, %dma_start3A_50, %mul3A_45] : memref<16x3x100000xf32, #tpu.memory_space<hbm>> -> memref<16x3x40xf32, #tpu.memory_space<hbm>>
        tpu.enqueue_dma source(%arg7 : memref<16x3x40xf32, #tpu.memory_space<vmem>>) target(%dma_start3A_51 : memref<16x3x40xf32, #tpu.memory_space<hbm>>) target_semaphore(%run_scoped3A : memref<!tpu.dma_semaphore, #tpu.memory_space<semaphore_mem>>)
        %dma_wait3A_52 = arith.constant 0 : i32
        %dma_wait3A_53 = arith.constant 0 : i32
        %dma_wait3A_54 = tpu.memref_slice %arg4[%dma_wait3A_52, %dma_wait3A_53, %mul3A_45] : memref<16x3x100000xf32, #tpu.memory_space<hbm>> -> memref<16x3x40xf32, #tpu.memory_space<hbm>>
        %dma_wait3A_55 = arith.constant 0 : i32
        %dma_wait3A_56 = arith.constant 0 : i32
        %dma_wait3A_57 = tpu.memref_slice %arg4[%dma_wait3A_55, %dma_wait3A_56, %mul3A_45] : memref<16x3x100000xf32, #tpu.memory_space<hbm>> -> memref<16x3x40xf32, #tpu.memory_space<hbm>>
        tpu.wait_dma2 semaphore(%run_scoped3A : memref<!tpu.dma_semaphore, #tpu.memory_space<semaphore_mem>>) src(%arg7 : memref<16x3x40xf32, #tpu.memory_space<vmem>>) dst(%dma_wait3A_57 : memref<16x3x40xf32, #tpu.memory_space<hbm>>)
        tpu.yield
      }) : () -> ()
    }
    %while3A_31 = arith.constant 1 : i32
    scf.for %while3A_32 = %while3A_29 to %while3A_25 step %while3A_31  : i32 {
      %mul3A_33 = arith.constant 32 : i32
      %mul3A_34 = arith.muli %while3A_32, %mul3A_33 : i32
      %add3A_35 = arith.addi %add3A, %mul3A_34 : i32
      %mul3A_36 = arith.constant 120 : i32
      %mul3A_37 = arith.muli %add3A_35, %mul3A_36 : i32
      "tpu.region"() ({
        %run_scoped3A = tpu.sem_alloc : memref<!tpu.dma_semaphore, #tpu.memory_space<semaphore_mem>>
        %dma_start3A_46 = tpu.memref_slice %arg3[%mul3A_37] : memref<300000xi32, #tpu.memory_space<hbm>> -> memref<120xi32, #tpu.memory_space<hbm>>
        %dma_start3A_47 = tpu.memref_slice %arg3[%mul3A_37] : memref<300000xi32, #tpu.memory_space<hbm>> -> memref<120xi32, #tpu.memory_space<hbm>>
        tpu.enqueue_dma source(%dma_start3A_47 : memref<120xi32, #tpu.memory_space<hbm>>) target(%arg5 : memref<120xi32, #tpu.memory_space<vmem>>) target_semaphore(%run_scoped3A : memref<!tpu.dma_semaphore, #tpu.memory_space<semaphore_mem>>)
        %dma_wait3A_48 = tpu.memref_slice %arg3[%mul3A_37] : memref<300000xi32, #tpu.memory_space<hbm>> -> memref<120xi32, #tpu.memory_space<hbm>>
        %dma_wait3A_49 = tpu.memref_slice %arg3[%mul3A_37] : memref<300000xi32, #tpu.memory_space<hbm>> -> memref<120xi32, #tpu.memory_space<hbm>>
        tpu.wait_dma2 semaphore(%run_scoped3A : memref<!tpu.dma_semaphore, #tpu.memory_space<semaphore_mem>>) src(%dma_wait3A_49 : memref<120xi32, #tpu.memory_space<hbm>>) dst(%arg5 : memref<120xi32, #tpu.memory_space<vmem>>)
        tpu.yield
      }) : () -> ()
      %dma_start3A = arith.constant 0 : i32
      %dma_start3A_38 = arith.constant 0 : i32
      %dma_start3A_39 = tpu.memref_slice %arg2[%dma_start3A, %dma_start3A_38] : memref<50000x112xf32, #tpu.memory_space<hbm>> -> memref<50000x112xf32, #tpu.memory_space<hbm>>
      tpu.enqueue_indirect_dma source(%dma_start3A_39 : memref<50000x112xf32, #tpu.memory_space<hbm>>) target(%arg6 : memref<120x112xf32, #tpu.memory_space<vmem>>) offsets(%arg5 : memref<120xi32, #tpu.memory_space<vmem>>) semaphore(%arg8 : memref<!tpu.dma_semaphore, #tpu.memory_space<semaphore_mem>>)
      %dma_wait3A = arith.constant 0 : i32
      %dma_wait3A_40 = arith.constant 0 : i32
      %dma_wait3A_41 = tpu.memref_slice %arg2[%dma_wait3A, %dma_wait3A_40] : memref<50000x112xf32, #tpu.memory_space<hbm>> -> memref<50000x112xf32, #tpu.memory_space<hbm>>
      tpu.wait_indirect_dma semaphore(%arg8 : memref<!tpu.dma_semaphore, #tpu.memory_space<semaphore_mem>>) src(%dma_wait3A_41 : memref<50000x112xf32, #tpu.memory_space<hbm>>) dst(%arg6 : memref<120x112xf32, #tpu.memory_space<vmem>>)
      %parallel_loop3A = arith.constant 0 : i32
      %parallel_loop3A_42 = arith.constant 40 : i32
      %parallel_loop3A_43 = arith.constant 1 : i32
      scf.for %parallel_loop3A_46 = %parallel_loop3A to %parallel_loop3A_42 step %parallel_loop3A_43  : i32 {
        %parallel_loop3A_47 = arith.constant 3 : i32
        %parallel_loop3A_48 = arith.muli %parallel_loop3A_47, %parallel_loop3A_46 : i32
        %parallel_loop3A_49 = arith.constant 1 : i32
        %parallel_loop3A_50 = arith.addi %parallel_loop3A_48, %parallel_loop3A_49 : i32
        %parallel_loop3A_51 = arith.constant 2 : i32
        %parallel_loop3A_52 = arith.addi %parallel_loop3A_48, %parallel_loop3A_51 : i32
        %parallel_loop3A_53 = arith.index_cast %parallel_loop3A_48 : i32 to index
        %parallel_loop3A_54 = arith.constant 0 : index
        %parallel_loop3A_55 = tpu.vector_load %arg6[%parallel_loop3A_53, %parallel_loop3A_54] {strides = array<i32>} : memref<120x112xf32, #tpu.memory_space<vmem>>, vector<16xf32>,
        %parallel_loop3A_56 = arith.index_cast %parallel_loop3A_48 : i32 to index
        %parallel_loop3A_57 = arith.constant 16 : index
        %parallel_loop3A_58 = tpu.vector_load %arg6[%parallel_loop3A_56, %parallel_loop3A_57] {strides = array<i32>} : memref<120x112xf32, #tpu.memory_space<vmem>>, vector<16xf32>,
        %parallel_loop3A_59 = arith.index_cast %parallel_loop3A_48 : i32 to index
        %parallel_loop3A_60 = arith.constant 32 : index
        %parallel_loop3A_61 = tpu.vector_load %arg6[%parallel_loop3A_59, %parallel_loop3A_60] {strides = array<i32>} : memref<120x112xf32, #tpu.memory_space<vmem>>, vector<16xf32>,
        %parallel_loop3A_62 = arith.index_cast %parallel_loop3A_50 : i32 to index
        %parallel_loop3A_63 = arith.constant 0 : index
        %parallel_loop3A_64 = tpu.vector_load %arg6[%parallel_loop3A_62, %parallel_loop3A_63] {strides = array<i32>} : memref<120x112xf32, #tpu.memory_space<vmem>>, vector<16xf32>,
        %parallel_loop3A_65 = arith.index_cast %parallel_loop3A_50 : i32 to index
        %parallel_loop3A_66 = arith.constant 16 : index
        %parallel_loop3A_67 = tpu.vector_load %arg6[%parallel_loop3A_65, %parallel_loop3A_66] {strides = array<i32>} : memref<120x112xf32, #tpu.memory_space<vmem>>, vector<16xf32>,
        %parallel_loop3A_68 = arith.index_cast %parallel_loop3A_50 : i32 to index
        %parallel_loop3A_69 = arith.constant 32 : index
        %parallel_loop3A_70 = tpu.vector_load %arg6[%parallel_loop3A_68, %parallel_loop3A_69] {strides = array<i32>} : memref<120x112xf32, #tpu.memory_space<vmem>>, vector<16xf32>,
        %parallel_loop3A_71 = arith.index_cast %parallel_loop3A_52 : i32 to index
        %parallel_loop3A_72 = arith.constant 0 : index
        %parallel_loop3A_73 = tpu.vector_load %arg6[%parallel_loop3A_71, %parallel_loop3A_72] {strides = array<i32>} : memref<120x112xf32, #tpu.memory_space<vmem>>, vector<16xf32>,
        %parallel_loop3A_74 = arith.index_cast %parallel_loop3A_52 : i32 to index
        %parallel_loop3A_75 = arith.constant 16 : index
        %parallel_loop3A_76 = tpu.vector_load %arg6[%parallel_loop3A_74, %parallel_loop3A_75] {strides = array<i32>} : memref<120x112xf32, #tpu.memory_space<vmem>>, vector<16xf32>,
        %parallel_loop3A_77 = arith.index_cast %parallel_loop3A_52 : i32 to index
        %parallel_loop3A_78 = arith.constant 32 : index
        %parallel_loop3A_79 = tpu.vector_load %arg6[%parallel_loop3A_77, %parallel_loop3A_78] {strides = array<i32>} : memref<120x112xf32, #tpu.memory_space<vmem>>, vector<16xf32>,
        %parallel_loop3A_80 = arith.index_cast %parallel_loop3A_48 : i32 to index
        %parallel_loop3A_81 = arith.constant 48 : index
        %parallel_loop3A_82 = tpu.vector_load %arg6[%parallel_loop3A_80, %parallel_loop3A_81] {strides = array<i32>} : memref<120x112xf32, #tpu.memory_space<vmem>>, vector<16xf32>,
        %parallel_loop3A_83 = arith.index_cast %parallel_loop3A_48 : i32 to index
        %parallel_loop3A_84 = arith.constant 64 : index
        %parallel_loop3A_85 = tpu.vector_load %arg6[%parallel_loop3A_83, %parallel_loop3A_84] {strides = array<i32>} : memref<120x112xf32, #tpu.memory_space<vmem>>, vector<16xf32>,
        %parallel_loop3A_86 = arith.index_cast %parallel_loop3A_48 : i32 to index
        %parallel_loop3A_87 = arith.constant 80 : index
        %parallel_loop3A_88 = tpu.vector_load %arg6[%parallel_loop3A_86, %parallel_loop3A_87] {strides = array<i32>} : memref<120x112xf32, #tpu.memory_space<vmem>>, vector<16xf32>,
        %parallel_loop3A_89 = arith.index_cast %parallel_loop3A_50 : i32 to index
        %parallel_loop3A_90 = arith.constant 48 : index
        %parallel_loop3A_91 = tpu.vector_load %arg6[%parallel_loop3A_89, %parallel_loop3A_90] {strides = array<i32>} : memref<120x112xf32, #tpu.memory_space<vmem>>, vector<16xf32>,
        %parallel_loop3A_92 = arith.index_cast %parallel_loop3A_50 : i32 to index
        %parallel_loop3A_93 = arith.constant 64 : index
        %parallel_loop3A_94 = tpu.vector_load %arg6[%parallel_loop3A_92, %parallel_loop3A_93] {strides = array<i32>} : memref<120x112xf32, #tpu.memory_space<vmem>>, vector<16xf32>,
        %parallel_loop3A_95 = arith.index_cast %parallel_loop3A_50 : i32 to index
        %parallel_loop3A_96 = arith.constant 80 : index
        %parallel_loop3A_97 = tpu.vector_load %arg6[%parallel_loop3A_95, %parallel_loop3A_96] {strides = array<i32>} : memref<120x112xf32, #tpu.memory_space<vmem>>, vector<16xf32>,
        %parallel_loop3A_98 = arith.index_cast %parallel_loop3A_52 : i32 to index
        %parallel_loop3A_99 = arith.constant 48 : index
        %parallel_loop3A_100 = tpu.vector_load %arg6[%parallel_loop3A_98, %parallel_loop3A_99] {strides = array<i32>} : memref<120x112xf32, #tpu.memory_space<vmem>>, vector<16xf32>,
        %parallel_loop3A_101 = arith.index_cast %parallel_loop3A_52 : i32 to index
        %parallel_loop3A_102 = arith.constant 64 : index
        %parallel_loop3A_103 = tpu.vector_load %arg6[%parallel_loop3A_101, %parallel_loop3A_102] {strides = array<i32>} : memref<120x112xf32, #tpu.memory_space<vmem>>, vector<16xf32>,
        %parallel_loop3A_104 = arith.index_cast %parallel_loop3A_52 : i32 to index
        %parallel_loop3A_105 = arith.constant 80 : index
        %parallel_loop3A_106 = tpu.vector_load %arg6[%parallel_loop3A_104, %parallel_loop3A_105] {strides = array<i32>} : memref<120x112xf32, #tpu.memory_space<vmem>>, vector<16xf32>,
        %parallel_loop3A_107 = arith.index_cast %parallel_loop3A_48 : i32 to index
        %parallel_loop3A_108 = arith.constant 96 : index
        %parallel_loop3A_109 = tpu.vector_load %arg6[%parallel_loop3A_107, %parallel_loop3A_108] {strides = array<i32>} : memref<120x112xf32, #tpu.memory_space<vmem>>, vector<16xf32>,
        %parallel_loop3A_110 = arith.index_cast %parallel_loop3A_50 : i32 to index
        %parallel_loop3A_111 = arith.constant 96 : index
        %parallel_loop3A_112 = tpu.vector_load %arg6[%parallel_loop3A_110, %parallel_loop3A_111] {strides = array<i32>} : memref<120x112xf32, #tpu.memory_space<vmem>>, vector<16xf32>,
        %parallel_loop3A_113 = arith.mulf %parallel_loop3A_109, %parallel_loop3A_112 : vector<16xf32>
        %parallel_loop3A_114 = arith.index_cast %parallel_loop3A_52 : i32 to index
        %parallel_loop3A_115 = arith.constant 96 : index
        %parallel_loop3A_116 = tpu.vector_load %arg6[%parallel_loop3A_114, %parallel_loop3A_115] {strides = array<i32>} : memref<120x112xf32, #tpu.memory_space<vmem>>, vector<16xf32>,
        %parallel_loop3A_117 = arith.mulf %parallel_loop3A_113, %parallel_loop3A_116 : vector<16xf32>
        %parallel_loop3A_118 = arith.subf %parallel_loop3A_64, %parallel_loop3A_55 : vector<16xf32>
        %parallel_loop3A_119 = arith.subf %parallel_loop3A_67, %parallel_loop3A_58 : vector<16xf32>
        %parallel_loop3A_120 = arith.subf %parallel_loop3A_70, %parallel_loop3A_61 : vector<16xf32>
        %parallel_loop3A_121 = arith.subf %parallel_loop3A_73, %parallel_loop3A_55 : vector<16xf32>
        %parallel_loop3A_122 = arith.subf %parallel_loop3A_76, %parallel_loop3A_58 : vector<16xf32>
        %parallel_loop3A_123 = arith.subf %parallel_loop3A_79, %parallel_loop3A_61 : vector<16xf32>
        %parallel_loop3A_124 = arith.subf %parallel_loop3A_121, %parallel_loop3A_118 : vector<16xf32>
        %parallel_loop3A_125 = arith.subf %parallel_loop3A_122, %parallel_loop3A_119 : vector<16xf32>
        %parallel_loop3A_126 = arith.subf %parallel_loop3A_123, %parallel_loop3A_120 : vector<16xf32>
        %parallel_loop3A_127 = arith.subf %parallel_loop3A_91, %parallel_loop3A_82 : vector<16xf32>
        %parallel_loop3A_128 = arith.subf %parallel_loop3A_94, %parallel_loop3A_85 : vector<16xf32>
        %parallel_loop3A_129 = arith.subf %parallel_loop3A_97, %parallel_loop3A_88 : vector<16xf32>
        %parallel_loop3A_130 = arith.subf %parallel_loop3A_100, %parallel_loop3A_82 : vector<16xf32>
        %parallel_loop3A_131 = arith.subf %parallel_loop3A_103, %parallel_loop3A_85 : vector<16xf32>
        %parallel_loop3A_132 = arith.subf %parallel_loop3A_106, %parallel_loop3A_88 : vector<16xf32>
        %parallel_loop3A_133 = arith.mulf %parallel_loop3A_128, %parallel_loop3A_132 : vector<16xf32>
        %parallel_loop3A_134 = arith.mulf %parallel_loop3A_129, %parallel_loop3A_131 : vector<16xf32>
        %parallel_loop3A_135 = arith.subf %parallel_loop3A_133, %parallel_loop3A_134 : vector<16xf32>
        %parallel_loop3A_136 = arith.mulf %parallel_loop3A_129, %parallel_loop3A_130 : vector<16xf32>
        %parallel_loop3A_137 = arith.mulf %parallel_loop3A_127, %parallel_loop3A_132 : vector<16xf32>
        %parallel_loop3A_138 = arith.subf %parallel_loop3A_136, %parallel_loop3A_137 : vector<16xf32>
        %parallel_loop3A_139 = arith.mulf %parallel_loop3A_127, %parallel_loop3A_131 : vector<16xf32>
        %parallel_loop3A_140 = arith.mulf %parallel_loop3A_128, %parallel_loop3A_130 : vector<16xf32>
        %parallel_loop3A_141 = arith.subf %parallel_loop3A_139, %parallel_loop3A_140 : vector<16xf32>
        %parallel_loop3A_142 = arith.mulf %parallel_loop3A_135, %parallel_loop3A_135 : vector<16xf32>
        %parallel_loop3A_143 = arith.mulf %parallel_loop3A_138, %parallel_loop3A_138 : vector<16xf32>
        %parallel_loop3A_144 = arith.addf %parallel_loop3A_142, %parallel_loop3A_143 : vector<16xf32>
        %parallel_loop3A_145 = arith.mulf %parallel_loop3A_141, %parallel_loop3A_141 : vector<16xf32>
        %parallel_loop3A_146 = arith.addf %parallel_loop3A_144, %parallel_loop3A_145 : vector<16xf32>
        %parallel_loop3A_147 = arith.constant 1.000000e-24 : f32
        %parallel_loop3A_148 = vector.broadcast %parallel_loop3A_147 : f32 to vector<16xf32>
        %parallel_loop3A_149 = arith.maximumf %parallel_loop3A_146, %parallel_loop3A_148 : vector<16xf32>
        %parallel_loop3A_150 = arith.mulf %parallel_loop3A_118, %parallel_loop3A_135 : vector<16xf32>
        %parallel_loop3A_151 = arith.mulf %parallel_loop3A_119, %parallel_loop3A_138 : vector<16xf32>
        %parallel_loop3A_152 = arith.addf %parallel_loop3A_150, %parallel_loop3A_151 : vector<16xf32>
        %parallel_loop3A_153 = arith.mulf %parallel_loop3A_120, %parallel_loop3A_141 : vector<16xf32>
        %parallel_loop3A_154 = arith.addf %parallel_loop3A_152, %parallel_loop3A_153 : vector<16xf32>
        %parallel_loop3A_155 = arith.mulf %parallel_loop3A_121, %parallel_loop3A_135 : vector<16xf32>
        %parallel_loop3A_156 = arith.mulf %parallel_loop3A_122, %parallel_loop3A_138 : vector<16xf32>
        %parallel_loop3A_157 = arith.addf %parallel_loop3A_155, %parallel_loop3A_156 : vector<16xf32>
        %parallel_loop3A_158 = arith.mulf %parallel_loop3A_123, %parallel_loop3A_141 : vector<16xf32>
        %parallel_loop3A_159 = arith.addf %parallel_loop3A_157, %parallel_loop3A_158 : vector<16xf32>
        %parallel_loop3A_160 = arith.subf %parallel_loop3A_159, %parallel_loop3A_154 : vector<16xf32>
        %parallel_loop3A_161 = math.absf %parallel_loop3A_154 : vector<16xf32>
        %parallel_loop3A_162 = arith.mulf %parallel_loop3A_118, %parallel_loop3A_118 : vector<16xf32>
        %parallel_loop3A_163 = arith.mulf %parallel_loop3A_119, %parallel_loop3A_119 : vector<16xf32>
        %parallel_loop3A_164 = arith.addf %parallel_loop3A_162, %parallel_loop3A_163 : vector<16xf32>
        %parallel_loop3A_165 = arith.mulf %parallel_loop3A_120, %parallel_loop3A_120 : vector<16xf32>
        %parallel_loop3A_166 = arith.addf %parallel_loop3A_164, %parallel_loop3A_165 : vector<16xf32>
        %parallel_loop3A_167 = arith.constant 1.000000e-24 : f32
        %parallel_loop3A_168 = vector.broadcast %parallel_loop3A_167 : f32 to vector<16xf32>
        %parallel_loop3A_169 = arith.maximumf %parallel_loop3A_166, %parallel_loop3A_168 : vector<16xf32>
        %parallel_loop3A_170 = arith.mulf %parallel_loop3A_169, %parallel_loop3A_149 : vector<16xf32>
        %parallel_loop3A_171 = tpu.bitcast %parallel_loop3A_170 : vector<16xf32> -> vector<16xi32>
        %parallel_loop3A_172 = arith.constant 1 : i32
        %parallel_loop3A_173 = vector.broadcast %parallel_loop3A_172 : i32 to vector<16xi32>
        %parallel_loop3A_174 = arith.shrsi %parallel_loop3A_171, %parallel_loop3A_173 : vector<16xi32>
        %parallel_loop3A_175 = arith.constant 1597463007 : i32
        %parallel_loop3A_176 = vector.broadcast %parallel_loop3A_175 : i32 to vector<16xi32>
        %parallel_loop3A_177 = arith.subi %parallel_loop3A_176, %parallel_loop3A_174 : vector<16xi32>
        %parallel_loop3A_178 = tpu.bitcast %parallel_loop3A_177 : vector<16xi32> -> vector<16xf32>
        %parallel_loop3A_179 = arith.constant 5.000000e-01 : f32
        %parallel_loop3A_180 = vector.broadcast %parallel_loop3A_179 : f32 to vector<16xf32>
        %parallel_loop3A_181 = arith.mulf %parallel_loop3A_180, %parallel_loop3A_170 : vector<16xf32>
        %parallel_loop3A_182 = arith.mulf %parallel_loop3A_181, %parallel_loop3A_178 : vector<16xf32>
        %parallel_loop3A_183 = arith.mulf %parallel_loop3A_182, %parallel_loop3A_178 : vector<16xf32>
        %parallel_loop3A_184 = arith.constant 1.500000e+00 : f32
        %parallel_loop3A_185 = vector.broadcast %parallel_loop3A_184 : f32 to vector<16xf32>
        %parallel_loop3A_186 = arith.subf %parallel_loop3A_185, %parallel_loop3A_183 : vector<16xf32>
        %parallel_loop3A_187 = arith.mulf %parallel_loop3A_178, %parallel_loop3A_186 : vector<16xf32>
        %parallel_loop3A_188 = arith.mulf %parallel_loop3A_181, %parallel_loop3A_187 : vector<16xf32>
        %parallel_loop3A_189 = arith.mulf %parallel_loop3A_188, %parallel_loop3A_187 : vector<16xf32>
        %parallel_loop3A_190 = arith.constant 1.500000e+00 : f32
        %parallel_loop3A_191 = vector.broadcast %parallel_loop3A_190 : f32 to vector<16xf32>
        %parallel_loop3A_192 = arith.subf %parallel_loop3A_191, %parallel_loop3A_189 : vector<16xf32>
        %parallel_loop3A_193 = arith.mulf %parallel_loop3A_187, %parallel_loop3A_192 : vector<16xf32>
        %parallel_loop3A_194 = arith.mulf %parallel_loop3A_161, %parallel_loop3A_193 : vector<16xf32>
        %parallel_loop3A_195 = arith.mulf %parallel_loop3A_194, %parallel_loop3A_117 : vector<16xf32>
        %parallel_loop3A_196 = math.absf %parallel_loop3A_159 : vector<16xf32>
        %parallel_loop3A_197 = arith.mulf %parallel_loop3A_121, %parallel_loop3A_121 : vector<16xf32>
        %parallel_loop3A_198 = arith.mulf %parallel_loop3A_122, %parallel_loop3A_122 : vector<16xf32>
        %parallel_loop3A_199 = arith.addf %parallel_loop3A_197, %parallel_loop3A_198 : vector<16xf32>
        %parallel_loop3A_200 = arith.mulf %parallel_loop3A_123, %parallel_loop3A_123 : vector<16xf32>
        %parallel_loop3A_201 = arith.addf %parallel_loop3A_199, %parallel_loop3A_200 : vector<16xf32>
        %parallel_loop3A_202 = arith.constant 1.000000e-24 : f32
        %parallel_loop3A_203 = vector.broadcast %parallel_loop3A_202 : f32 to vector<16xf32>
        %parallel_loop3A_204 = arith.maximumf %parallel_loop3A_201, %parallel_loop3A_203 : vector<16xf32>
        %parallel_loop3A_205 = arith.mulf %parallel_loop3A_204, %parallel_loop3A_149 : vector<16xf32>
        %parallel_loop3A_206 = tpu.bitcast %parallel_loop3A_205 : vector<16xf32> -> vector<16xi32>
        %parallel_loop3A_207 = arith.constant 1 : i32
        %parallel_loop3A_208 = vector.broadcast %parallel_loop3A_207 : i32 to vector<16xi32>
        %parallel_loop3A_209 = arith.shrsi %parallel_loop3A_206, %parallel_loop3A_208 : vector<16xi32>
        %parallel_loop3A_210 = arith.constant 1597463007 : i32
        %parallel_loop3A_211 = vector.broadcast %parallel_loop3A_210 : i32 to vector<16xi32>
        %parallel_loop3A_212 = arith.subi %parallel_loop3A_211, %parallel_loop3A_209 : vector<16xi32>
        %parallel_loop3A_213 = tpu.bitcast %parallel_loop3A_212 : vector<16xi32> -> vector<16xf32>
        %parallel_loop3A_214 = arith.constant 5.000000e-01 : f32
        %parallel_loop3A_215 = vector.broadcast %parallel_loop3A_214 : f32 to vector<16xf32>
        %parallel_loop3A_216 = arith.mulf %parallel_loop3A_215, %parallel_loop3A_205 : vector<16xf32>
        %parallel_loop3A_217 = arith.mulf %parallel_loop3A_216, %parallel_loop3A_213 : vector<16xf32>
        %parallel_loop3A_218 = arith.mulf %parallel_loop3A_217, %parallel_loop3A_213 : vector<16xf32>
        %parallel_loop3A_219 = arith.constant 1.500000e+00 : f32
        %parallel_loop3A_220 = vector.broadcast %parallel_loop3A_219 : f32 to vector<16xf32>
        %parallel_loop3A_221 = arith.subf %parallel_loop3A_220, %parallel_loop3A_218 : vector<16xf32>
        %parallel_loop3A_222 = arith.mulf %parallel_loop3A_213, %parallel_loop3A_221 : vector<16xf32>
        %parallel_loop3A_223 = arith.mulf %parallel_loop3A_216, %parallel_loop3A_222 : vector<16xf32>
        %parallel_loop3A_224 = arith.mulf %parallel_loop3A_223, %parallel_loop3A_222 : vector<16xf32>
        %parallel_loop3A_225 = arith.constant 1.500000e+00 : f32
        %parallel_loop3A_226 = vector.broadcast %parallel_loop3A_225 : f32 to vector<16xf32>
        %parallel_loop3A_227 = arith.subf %parallel_loop3A_226, %parallel_loop3A_224 : vector<16xf32>
        %parallel_loop3A_228 = arith.mulf %parallel_loop3A_222, %parallel_loop3A_227 : vector<16xf32>
        %parallel_loop3A_229 = arith.mulf %parallel_loop3A_196, %parallel_loop3A_228 : vector<16xf32>
        %parallel_loop3A_230 = arith.mulf %parallel_loop3A_229, %parallel_loop3A_117 : vector<16xf32>
        %parallel_loop3A_231 = math.absf %parallel_loop3A_160 : vector<16xf32>
        %parallel_loop3A_232 = arith.mulf %parallel_loop3A_124, %parallel_loop3A_124 : vector<16xf32>
        %parallel_loop3A_233 = arith.mulf %parallel_loop3A_125, %parallel_loop3A_125 : vector<16xf32>
        %parallel_loop3A_234 = arith.addf %parallel_loop3A_232, %parallel_loop3A_233 : vector<16xf32>
        %parallel_loop3A_235 = arith.mulf %parallel_loop3A_126, %parallel_loop3A_126 : vector<16xf32>
        %parallel_loop3A_236 = arith.addf %parallel_loop3A_234, %parallel_loop3A_235 : vector<16xf32>
        %parallel_loop3A_237 = arith.constant 1.000000e-24 : f32
        %parallel_loop3A_238 = vector.broadcast %parallel_loop3A_237 : f32 to vector<16xf32>
        %parallel_loop3A_239 = arith.maximumf %parallel_loop3A_236, %parallel_loop3A_238 : vector<16xf32>
        %parallel_loop3A_240 = arith.mulf %parallel_loop3A_239, %parallel_loop3A_149 : vector<16xf32>
        %parallel_loop3A_241 = tpu.bitcast %parallel_loop3A_240 : vector<16xf32> -> vector<16xi32>
        %parallel_loop3A_242 = arith.constant 1 : i32
        %parallel_loop3A_243 = vector.broadcast %parallel_loop3A_242 : i32 to vector<16xi32>
        %parallel_loop3A_244 = arith.shrsi %parallel_loop3A_241, %parallel_loop3A_243 : vector<16xi32>
        %parallel_loop3A_245 = arith.constant 1597463007 : i32
        %parallel_loop3A_246 = vector.broadcast %parallel_loop3A_245 : i32 to vector<16xi32>
        %parallel_loop3A_247 = arith.subi %parallel_loop3A_246, %parallel_loop3A_244 : vector<16xi32>
        %parallel_loop3A_248 = tpu.bitcast %parallel_loop3A_247 : vector<16xi32> -> vector<16xf32>
        %parallel_loop3A_249 = arith.constant 5.000000e-01 : f32
        %parallel_loop3A_250 = vector.broadcast %parallel_loop3A_249 : f32 to vector<16xf32>
        %parallel_loop3A_251 = arith.mulf %parallel_loop3A_250, %parallel_loop3A_240 : vector<16xf32>
        %parallel_loop3A_252 = arith.mulf %parallel_loop3A_251, %parallel_loop3A_248 : vector<16xf32>
        %parallel_loop3A_253 = arith.mulf %parallel_loop3A_252, %parallel_loop3A_248 : vector<16xf32>
        %parallel_loop3A_254 = arith.constant 1.500000e+00 : f32
        %parallel_loop3A_255 = vector.broadcast %parallel_loop3A_254 : f32 to vector<16xf32>
        %parallel_loop3A_256 = arith.subf %parallel_loop3A_255, %parallel_loop3A_253 : vector<16xf32>
        %parallel_loop3A_257 = arith.mulf %parallel_loop3A_248, %parallel_loop3A_256 : vector<16xf32>
        %parallel_loop3A_258 = arith.mulf %parallel_loop3A_251, %parallel_loop3A_257 : vector<16xf32>
        %parallel_loop3A_259 = arith.mulf %parallel_loop3A_258, %parallel_loop3A_257 : vector<16xf32>
        %parallel_loop3A_260 = arith.constant 1.500000e+00 : f32
        %parallel_loop3A_261 = vector.broadcast %parallel_loop3A_260 : f32 to vector<16xf32>
        %parallel_loop3A_262 = arith.subf %parallel_loop3A_261, %parallel_loop3A_259 : vector<16xf32>
        %parallel_loop3A_263 = arith.mulf %parallel_loop3A_257, %parallel_loop3A_262 : vector<16xf32>
        %parallel_loop3A_264 = arith.mulf %parallel_loop3A_231, %parallel_loop3A_263 : vector<16xf32>
        %parallel_loop3A_265 = arith.mulf %parallel_loop3A_264, %parallel_loop3A_117 : vector<16xf32>
        %parallel_loop3A_266 = vector.broadcast %parallel_loop3A_46 : i32 to vector<16xi32>
        %parallel_loop3A_267 = arith.constant 0 : i32
        %parallel_loop3A_268 = vector.broadcast %parallel_loop3A_267 : i32 to vector<16xi32>
        tpu.vector_store_idx %arg7[%iota3A, %parallel_loop3A_268, %parallel_loop3A_266], %parallel_loop3A_195 : memref<16x3x40xf32, #tpu.memory_space<vmem>>[vector<16xi32>, vector<16xi32>, vector<16xi32>], vector<16xf32>,
        %parallel_loop3A_269 = arith.constant 1 : i32
        %parallel_loop3A_270 = vector.broadcast %parallel_loop3A_269 : i32 to vector<16xi32>
        tpu.vector_store_idx %arg7[%iota3A, %parallel_loop3A_270, %parallel_loop3A_266], %parallel_loop3A_230 : memref<16x3x40xf32, #tpu.memory_space<vmem>>[vector<16xi32>, vector<16xi32>, vector<16xi32>], vector<16xf32>,
        %parallel_loop3A_271 = arith.constant 2 : i32
        %parallel_loop3A_272 = vector.broadcast %parallel_loop3A_271 : i32 to vector<16xi32>
        tpu.vector_store_idx %arg7[%iota3A, %parallel_loop3A_272, %parallel_loop3A_266], %parallel_loop3A_265 : memref<16x3x40xf32, #tpu.memory_space<vmem>>[vector<16xi32>, vector<16xi32>, vector<16xi32>], vector<16xf32>,
      } {sc.loop_unroll_factor = 4 : i64, sc.parallel_access}
      %mul3A_44 = arith.constant 40 : i32
      %mul3A_45 = arith.muli %add3A_35, %mul3A_44 : i32
      "tpu.region"() ({
        %run_scoped3A = tpu.sem_alloc : memref<!tpu.dma_semaphore, #tpu.memory_space<semaphore_mem>>
        %dma_start3A_46 = arith.constant 0 : i32
        %dma_start3A_47 = arith.constant 0 : i32
        %dma_start3A_48 = tpu.memref_slice %arg4[%dma_start3A_46, %dma_start3A_47, %mul3A_45] : memref<16x3x100000xf32, #tpu.memory_space<hbm>> -> memref<16x3x40xf32, #tpu.memory_space<hbm>>
        %dma_start3A_49 = arith.constant 0 : i32
        %dma_start3A_50 = arith.constant 0 : i32
        %dma_start3A_51 = tpu.memref_slice %arg4[%dma_start3A_49, %dma_start3A_50, %mul3A_45] : memref<16x3x100000xf32, #tpu.memory_space<hbm>> -> memref<16x3x40xf32, #tpu.memory_space<hbm>>
        tpu.enqueue_dma source(%arg7 : memref<16x3x40xf32, #tpu.memory_space<vmem>>) target(%dma_start3A_51 : memref<16x3x40xf32, #tpu.memory_space<hbm>>) target_semaphore(%run_scoped3A : memref<!tpu.dma_semaphore, #tpu.memory_space<semaphore_mem>>)
        %dma_wait3A_52 = arith.constant 0 : i32
        %dma_wait3A_53 = arith.constant 0 : i32
        %dma_wait3A_54 = tpu.memref_slice %arg4[%dma_wait3A_52, %dma_wait3A_53, %mul3A_45] : memref<16x3x100000xf32, #tpu.memory_space<hbm>> -> memref<16x3x40xf32, #tpu.memory_space<hbm>>
        %dma_wait3A_55 = arith.constant 0 : i32
        %dma_wait3A_56 = arith.constant 0 : i32
        %dma_wait3A_57 = tpu.memref_slice %arg4[%dma_wait3A_55, %dma_wait3A_56, %mul3A_45] : memref<16x3x100000xf32, #tpu.memory_space<hbm>> -> memref<16x3x40xf32, #tpu.memory_space<hbm>>
        tpu.wait_dma2 semaphore(%run_scoped3A : memref<!tpu.dma_semaphore, #tpu.memory_space<semaphore_mem>>) src(%arg7 : memref<16x3x40xf32, #tpu.memory_space<vmem>>) dst(%dma_wait3A_57 : memref<16x3x40xf32, #tpu.memory_space<hbm>>)
        tpu.yield
      }) : () -> ()
    }
    return
  }
}

</mosaic_0001>

<sc_bundles>
// kernel: _sc_loss.3.cloned.1.call-start
scs
__scs_entry_jumppad:
0x0: {  	(pc) =	sbr.rel $0x88, $3  }
0x1: {  	(tag) =	ssettag $0x0;
	lr =	simm.s32 $0x1  }
0x2: {  	[smem:$0x3F9F] =	sst lr;
	_ =	strace $0xD0000000  }
0x3: {  	_ = 	snop  }
0x4: {  	_ = 	snop  }
0x5: {  	_ = 	snop  }
0x6: {  	_ = 	snop  }
0x7: {  	_ = 	snop  }
__scs_overlays_trampoline_lowered:
0x8: {  	[smem:$0x3FAE] =	sst s0  }
0x9: {  	[smem:$0x3FAF] =	sst s1  }
0xa: {  	[smem:$0x3FB0] =	sst s2  }
0xb: {  	[smem:$0x3FB1] =	sst s3  }
0xc: {  	[smem:$0x3FB2] =	sst s4  }
0xd: {  	[smem:$0x3FB3] =	sst s5  }
0xe: {  	[smem:$0x3FB4] =	sst s6  }
0xf: {  	[smem:$0x3FB5] =	sst s7  }
0x10: {  	[smem:$0x3FB6] =	sst s8  }
0x11: {  	[smem:$0x3FB7] =	sst s9;
	s0 =	simm.s32 @!p0 $0x0  }
0x12: {  	s1 =	sld [smem:$0x3F9D];
	s0 =	simm.s32 @p0 $0x1  }
0x13: {  	[smem:$0x3FB8] =	sst s0;
	s0 =	simm.s32 @!p1 $0x0  }
0x14: {  	s2 =	sld [smem:$0x3F9C];
	s0 =	simm.s32 @p1 $0x1  }
0x15: {  	[smem:$0x3FB9] =	sst s0;
	s0 =	simm.s32 @!p2 $0x0  }
0x16: {  	s3 =	sld [smem:$0x3FDB];
	s0 =	simm.s32 @p2 $0x1  }
0x17: {  	s4 =	simm.s32 $0x1BF5;
	[smem:$0x3FBB] =	sst s0  }
0x18: {  	s0 =	sld [smem:$0x3F9E];
	_ =	swait.ge [sflag:s4], $0x0  }
0x19: {  	s7 =	sld [smem:$0x3F9F]  }
0x1a: {  	s8 =	sadd.s32 $0xFFFFE003, lr  }
0x1b: {  	s9 =	sadd.s32 $0xFFFFFEF7, lr;
	s5 =	simm.s32 $0xFFFFFFFF;
	p2 =	slt.u32 s8, $0xFFFFF086  }
0x1c: {  	p1 =	slt.u32 s9, $0xF7A;
	s5 =	simm.s32 @!p2 $0x0  }
0x1d: {  	s5 =	simm.s32 @p1 $0x1;
	p0 =	seq.s32 s7, s2  }
0x1e: {  	s7 =	smul.u32 @!p0 $0xF7A, s2;
	p2 =	seq.s32 @!p0 s5, $0x0  }
0x1f: {  	s9 =	smul.u32 $0xF7A, s1;
	s8 =	simm.s32 @!p0 $0x1BF5;
	p2 =	por !p2, p0  }
0x20: {  	[sflag:s8] =	ssyncset.s32 @!p0 $0xFFFFF086;
	s6 =	sadd.s32 @!p0 s3, s7;
	s7 =	simm.s32 @!p0 $0x108  }
0x21: {  	s3 =	sadd.s32 s3, s9;
	s6 =	sadd.s32 @!p0 $0x88, s6;
	s7 =	simm.s32 @p2 $0x1082  }
0x22: {  	[simem:s7], [sflag:s8] =	dma.local @!p0 [hbm:s6], $0xF7A  }
0x23: {  	s9 =	sor.u32 $0xD0000000, s2;
	s6 =	simm.s32 $0x108;
	_ =	swait.ge @!p0 [sflag:s8], $0x0  }
0x24: {  	s3 =	sadd.s32 $0x88, s3;
	s6 =	simm.s32 @!p1 $0x1082;
	[sflag:s4] =	ssyncset.s32 $0xFFFFF086  }
0x25: {  	[simem:s6], [sflag:s4] =	dma.local [hbm:s3], $0xF7A  }
0x26: {  	[smem:$0x3F9F] =	sst s1;
	(tag) =	ssettag s2;
	_ =	strace s9  }
0x27: {  	s1 =	sld [smem:$0x3FAF]  }
0x28: {  	s2 =	sld [smem:$0x3FB0]  }
0x29: {  	s4 =	sld [smem:$0x3FB2]  }
0x2a: {  	p0 =	seq.s32 s5, $0x0;
	s5 =	sld [smem:$0x3FB3]  }
0x2b: {  	s6 =	sld [smem:$0x3FB4]  }
0x2c: {  	s7 =	sld [smem:$0x3FB5]  }
0x2d: {  	s3 =	simm.s32 $0x108;
	s8 =	sld [smem:$0x3FB6]  }
0x2e: {  	s3 =	simm.s32 @!p0 $0x1082;
	s9 =	sld [smem:$0x3FB7]  }
0x2f: {  	lr =	sadd.s32 s0, s3;
	s0 =	sld [smem:$0x3FAE]  }
0x30: {  	s3 =	sld [smem:$0x3FB1]  }
0x31: {  	[smem:$0x3FBA] =	sst s10  }
0x32: {  	s10 =	sld [smem:$0x3FB8];
	_ =	sdelay $0x3  }
0x33: {  	p0 =	seq.s32 s10, $0x1;
	s10 =	sld [smem:$0x3FBA];
	_ =	sdelay $0x3  }
0x34: {  	[smem:$0x3FBA] =	sst s10  }
0x35: {  	s10 =	sld [smem:$0x3FB9];
	_ =	sdelay $0x3  }
0x36: {  	p1 =	seq.s32 s10, $0x1;
	s10 =	sld [smem:$0x3FBA];
	_ =	sdelay $0x3  }
0x37: {  	[smem:$0x3FBA] =	sst s10  }
0x38: {  	s10 =	sld [smem:$0x3FBB]  }
0x39: {  	_ = 	snop;
	(pc) =	sbr.ind lr, $3  }
0x3a: {  	_ = 	snop  }
0x3b: {  	_ = 	snop  }
0x3c: {  	p2 =	seq.s32 s10, $0x1;
	s10 =	sld [smem:$0x3FBA]  }
0x3d: {  	_ =	shalt  }
0x3e: {  	_ =	shalt  }
0x3f: {  	_ =	shalt  }
0x40: {  	_ =	shalt  }
0x41: {  	_ =	shalt  }
0x42: {  	_ =	shalt  }
0x43: {  	_ =	shalt  }
0x44: {  	_ =	shalt  }
0x45: {  	_ =	shalt  }
0x46: {  	_ =	shalt  }
0x47: {  	_ =	shalt  }
0x48: {  	_ =	shalt  }
0x49: {  	_ =	shalt  }
0x4a: {  	_ =	shalt  }
0x4b: {  	_ =	shalt  }
0x4c: {  	_ =	shalt  }
0x4d: {  	_ =	shalt  }
0x4e: {  	_ =	shalt  }
0x4f: {  	_ =	shalt  }
0x50: {  	_ =	shalt  }
0x51: {  	_ =	shalt  }
0x52: {  	_ =	shalt  }
0x53: {  	_ =	shalt  }
0x54: {  	_ =	shalt  }
0x55: {  	_ =	shalt  }
0x56: {  	_ =	shalt  }
0x57: {  	_ =	shalt  }
0x58: {  	_ =	shalt  }
0x59: {  	_ =	shalt  }
0x5a: {  	_ =	shalt  }
0x5b: {  	_ =	shalt  }
0x5c: {  	_ =	shalt  }
0x5d: {  	_ =	shalt  }
0x5e: {  	_ =	shalt  }
0x5f: {  	_ =	shalt  }
0x60: {  	_ =	shalt  }
0x61: {  	_ =	shalt  }
0x62: {  	_ =	shalt  }
0x63: {  	_ =	shalt  }
0x64: {  	_ =	shalt  }
0x65: {  	_ =	shalt  }
0x66: {  	_ =	shalt  }
0x67: {  	_ =	shalt  }
0x68: {  	_ =	shalt  }
0x69: {  	_ =	shalt  }
0x6a: {  	_ =	shalt  }
0x6b: {  	_ =	shalt  }
0x6c: {  	_ =	shalt  }
0x6d: {  	_ =	shalt  }
0x6e: {  	_ =	shalt  }
0x6f: {  	_ =	shalt  }
0x70: {  	_ =	shalt  }
0x71: {  	_ =	shalt  }
0x72: {  	_ =	shalt  }
0x73: {  	_ =	shalt  }
0x74: {  	_ =	shalt  }
0x75: {  	_ =	shalt  }
0x76: {  	_ =	shalt  }
0x77: {  	_ =	shalt  }
0x78: {  	_ =	shalt  }
0x79: {  	_ =	shalt  }
0x7a: {  	_ =	shalt  }
0x7b: {  	_ =	shalt  }
0x7c: {  	_ =	shalt  }
0x7d: {  	_ =	shalt  }
0x7e: {  	_ =	shalt  }
0x7f: {  	_ =	shalt  }
0x80: {  	_ =	shalt  }
0x81: {  	_ =	shalt  }
0x82: {  	_ =	shalt  }
0x83: {  	_ =	shalt  }
0x84: {  	_ =	shalt  }
0x85: {  	_ =	shalt  }
0x86: {  	_ =	shalt  }
0x87: {  	_ =	shalt  }
.Lfunc_end0:
.L_simem_size_0:
called_computation_lowered:
.L_overlay_start_0:
0x88: {  	s2 =	sld [smem:$0x3FD9]  }
0x89: {  	s3 =	sld [smem:$0x3FFE];
	_ =	sdelay $0x1  }
0x8a: {  	s1 =	srdreg.scid  }
0x8b: {  	s0 =	sand.u32 $0x1, s1  }
0x8c: {  	s17 =	sshll.u32 s0, $0xA;
	s2 =	sadd.s32 s3, s2  }
0x8d: {  	s2 =	sadd.s32 s2, s17  }
0x8e: {  	[smem:$0x3FC6] =	sst s2  }
0x8f: {  	_ = 	snop  }
0x90: {  	s2 =	sld [smem:$0x3FC8]  }
0x91: {  	s18 =	sld [smem:$0x3FD0];
	(tm) =	ssettm $0x1  }
0x92: {  	s4 =	sld [smem:$0x3FFB];
	_ =	sdelay $0x3  }
0x93: {  	_ =	strace s4  }
0x94: {  	s4 =	sld [smem:$0x3FFC];
	_ =	sdelay $0x3  }
0x95: {  	_ =	strace s4  }
0x96: {  	s4 =	sld [smem:$0x3FFD];
	_ =	sdelay $0x3  }
0x97: {  	_ =	strace s4  }
0x98: {  	_ =	strace $0x8FFFFFFF  }
0x99: {  	s19 =	sld [smem:$0x3FDB];
	_ =	sdelay $0x1  }
0x9a: {  	s5 =	simm.s32 $_scs_section_size  }
0x9b: {  	s6 =	simm.s32 $_size__tile_overlayer_lowered;
	s7 =	simm.s32 $_tile_overlayer_lowered  }
0x9c: {  	s22 =	simm.s32 $0x1BFF;
	s21 =	sshll.u32 s7, $0x1;
	s4 =	sadd.s32 s5, s19  }
0x9d: {  	s8 =	simm.s32 $0x0;
	s20 =	sshll.u32 s6, $0x1;
	s6 =	sadd.s32 s21, s4  }
0x9e: {  	[timem:s8], [sflag:s22] =	dma.local [hbm:s6], s20  }
0x9f: {  	_ =	swait.ge [sflag:s22], s20  }
0xa0: {  	s5 =	ssub.s32 $0x0, s20;
	[sflag:s22] =	ssyncset.done $0x0  }
0xa1: {  	[sflag:s22] =	ssyncadd.s32 s5;
	_ =	sdelay $0x1  }
0xa2: {  	s23 =	simm.s32 $0x1B8B  }
0xa3: {  	_ =	swait.ge [sflag:s23], $0x1  }
0xa4: {  	[sflag:s23] =	ssyncset.done $0x0  }
0xa5: {  	s25 =	simm.s32 $0x1B8E;
	s24 =	sld [smem:$0x3FFE];
	[sflag:s23] =	ssyncadd.s32 $0xFFFFFFFF  }
0xa6: {  	s26 =	simm.s32 $execute0_lowered;
	[smem:$0x3FD2] =	sst s25  }
0xa7: {  	s6 =	sshll.u32 s26, $0x1;
	_ =	strace $0x80000046;
	[dreg:$0x1] =	wrdreg $0xFFFFFFFF  }
0xa8: {  	s28 =	simm.s32 $_size_execute0_lowered;
	s4 =	sadd.s32 s4, s6;
	[dreg:$0x0] =	wrdreg $0x0  }
0xa9: {  	s6 =	sshll.u32 s28, $0x1;
	[dreg:$0x2] =	wrdreg s4  }
0xaa: {  	[dreg:$0x3] =	wrdreg s6  }
0xab: {  	[dreg:$0x4] =	wrdreg $0xC0  }
0xac: {  	_ =	task [dreg:s8], $0x5FFFF  }
0xad: {  	[dreg:$0x1] =	wrdreg $0xFFFFFFFF  }
0xae: {  	[dreg:$0x0] =	wrdreg $0x60  }
0xaf: {  	[dreg:$0x2] =	wrdreg s24  }
0xb0: {  	[dreg:$0x3] =	wrdreg s2  }
0xb1: {  	[dreg:$0x4] =	wrdreg s18  }
0xb2: {  	[dreg:$0x5] =	wrdreg $0x9  }
0xb3: {  	_ =	task.clear_ibuf [dreg:s8], $0x6FFFF;
	_ =	strace $0x90000046  }
0xb4: {  	s29 =	simm.s32 $0x9;
	_ =	strace $0x80000048  }
0xb5: {  	_ =	swait.ge [sflag:s29], $0x1  }
0xb6: {  	[sflag:s29] =	ssyncadd.s32 $0xFFFFFFFF  }
0xb7: {  	_ =	strace $0x90000048  }
0xb8: {  	_ =	sfence  }
0xb9: {  	s30 =	sld [smem:$0x0];
	_ =	sdelay $0x2  }
0xba: {  	s31 =	sshll.u32 s1, $0xD;
	s1 =	sshrl.u32 s1, $0x2  }
0xbb: {  	s3 =	sand.u32 $0x4000, s31;
	s1 =	sadd.s32 s1, s30  }
0xbc: {  	s0 =	sor.u32 s3, s0;
	s1 =	sshll.u32 s1, $0x11  }
0xbd: {  	s0 =	sor.u32 s1, s0  }
0xbe: {  	s0 =	sadd.s32 $0x8F2B, s0  }
0xbf: {  	[sflag:s0] =	ssyncadd.remote.s32 $0x1  }
0xc0: {  	_ =	sfence.sel $0xFFFF  }
0xc1: {  	[dreg:$0x0] =	wrdreg $0xFFFFFFFF;
	(pc) =	sbr.abs _section_cstart, $3  }
0xc2: {  	[dreg:$0x1] =	wrdreg $0xFFFFFFFF  }
0xc3: {  	_ =	task.clear_ibuf [dreg:s8], $0x2FFFF;
	_ =	strace $0x9FFFFFFF  }
0xc4: {  	(tm) =	ssettm $0x7FFFFFFF  }
0xc5: {  	_ =	shalt  }
tec
execute0_lowered:
.L_overlay_start_1:
0x0: {  	(tag) =	ssettag $0x1  }
0x1: {  	s6 =	rddreg [dreg:$0x0]  }
0x2: {  	s2 =	rddreg [dreg:$0x1]  }
0x3: {  	s3 =	rddreg [dreg:$0x2];
	s4 =	srdreg.scid  }
0x4: {  	s0 =	rddreg [dreg:$0x3];
	s1 =	stileid.u32;
	s10 =	simm.s32 $0x78  }
0x5: {  	v0 =	vlaneseq.u32;
	s11 =	simm.s32 $0x1;
	s12 =	simm.s32 $0x34F8;
	s13 =	simm.s32 $0x28  }
0x6: {  	s14 =	simm.s32 $0x186A0;
	s5 =	sand.u32 $0x1, s4;
	s4 =	simm.s32 $0x0;
	v0 =	vmul.u32 $0x78, v0  }
0x7: {  	s8 =	sshll.u32 s1, $0x1;
	s7 =	ssub.s32 $0x2, s5;
	[smem:$0x7FF] =	sst s4  }
0x8: {  	s5 =	sor.u32 s8, s5;
	s9 =	sshrl.u32 s7, $0x1;
	_ =	strace $0x80000047;
	v1 =	vadd.s32 $0x28, v0;
	[tilespmem:$0x1FFD0] =	vst v0  }
0x9: {  	s6 =	sadd.s32 $0x600, s6;
	s31 =	ssub.s32 $0x9E3, s5;
	v2 =	vadd.s32 $0x50, v0;
	s30 =	ssub.s32 s7, s9;
	[tilespmem:$0x1FFE0] =	vst v1  }
0xa: {  	s7 =	sshrl.u32 s31, $0x5;
	s9 =	simm.s32 $0x2;
	[tilespmem:$0x1FFF0] =	vst v2;
	s8 =	smax.u32 s30, $0x1  }
.LBB2_1:
0xb: {  	s15 =	simm.s32 $0x0  }
.LBB2_2:
0xc: {  	s16 =	sshll.u32 s15, $0x5  }
0xd: {  	s16 =	sor.u32 s5, s16  }
0xe: {  	s17 =	smul.u32 $0x78, s16;
	_ =	sdelay $0x1  }
0xf: {  	s17 =	sshrl.u32 s17, $0x3  }
0x10: {  	s22 =	simm.s32 $0x0;
	s18 =	sadd.s32 s2, s17  }
0x11: {  	[tilespmem:s22], [sflag:$0x2] =	stream.linear.gather [hbm4b:s18+s22], $0x78, $0x38;
	[tilespmem:$0x3C78] =	vst v63  }
0x12: {  	_ =	swait.ge [sflag:s9], $0x78  }
0x13: {  	[sflag:s9] =	ssyncset.done $0x0  }
0x14: {  	[sflag:s9] =	ssyncadd.s32 $0xFFFFFF88  }
0x15: {  	[tilespmem:s10], [sflag:$0x1] =	stream.indirect.gather [hbm4b:s6+s10], $0x70, s22, s10, $0xb8;
	[tilespmem:$0x3C78] =	vst v63  }
0x16: {  	_ =	swait.ge [sflag:s11], $0x3480  }
0x17: {  	[sflag:s11] =	ssyncset.done $0x0  }
0x18: {  	s23 =	simm.s32 $0x318;
	[sflag:s11] =	ssyncadd.s32 $0xFFFFCB80  }
0x19: {  	v3 =	vld [tilespmem:s23+$0x170]  }
0x1a: {  	v4 =	vld [tilespmem:s23+$0x1E0]  }
0x1b: {  	v5 =	vld [tilespmem:s23+$0x250]  }
0x1c: {  	v6 =	vld [tilespmem:s23+$0x150]  }
0x1d: {  	v7 =	vld [tilespmem:s23+$0x160]  }
0x1e: {  	v8 =	vld [tilespmem:s23+$0x1C0]  }
0x1f: {  	v9 =	vld [tilespmem:s23+$0x1D0]  }
0x20: {  	v10 =	vld [tilespmem:s23+$0x180]  }
0x21: {  	v11 =	vld [tilespmem:s23+$0x190]  }
0x22: {  	v12 =	vld [tilespmem:s23+$0x1A0]  }
0x23: {  	v13 =	vld [tilespmem:s23+$0x1F0]  }
0x24: {  	v14 =	vld [tilespmem:s23+$0x200]  }
0x25: {  	v15 =	vld [tilespmem:s23+$0x210]  }
0x26: {  	v16 =	vld [tilespmem:s23+$0x270]  }
0x27: {  	v17 =	vld [tilespmem:s23+$0x280]  }
0x28: {  	v18 =	vld [tilespmem:s23+$0x260]  }
0x29: {  	v19 =	vld [tilespmem:s23+$0x240];
	v4 =	vsub.f32 v4, v3  }
0x2a: {  	v20 =	vld [tilespmem:s23+$0xFFFFFD90];
	v3 =	vsub.f32 v5, v3;
	v8 =	vsub.f32 v8, v6  }
0x2b: {  	v24 =	vld [tilespmem:s23+$0xFFFFFE00];
	v13 =	vsub.f32 v13, v10;
	v14 =	vsub.f32 v14, v11  }
0x2c: {  	v5 =	vld [tilespmem:s23+$0x230];
	v15 =	vsub.f32 v15, v12;
	v11 =	vsub.f32 v16, v11  }
0x2d: {  	v12 =	vsub.f32 v17, v12;
	v10 =	vsub.f32 v18, v10;
	v17 =	vmul.f32 v4, v4  }
0x2e: {  	v9 =	vsub.f32 v9, v7;
	v21 =	vmul.f32 v3, v3;
	v18 =	vmul.f32 v8, v8  }
0x2f: {  	v7 =	vsub.f32 v19, v7;
	v25 =	vmul.f32 v11, v15;
	v15 =	vmul.f32 v10, v15  }
0x30: {  	v26 =	vld [tilespmem:s23+$0xFFFFFE10];
	v24 =	vsub.f32 v24, v20;
	v11 =	vmul.f32 v11, v13;
	v10 =	vmul.f32 v10, v14  }
0x31: {  	v16 =	vld [tilespmem:s23+$0xFFFFFDA0];
	v5 =	vsub.f32 v5, v6;
	v6 =	vmul.f32 v12, v14;
	v12 =	vmul.f32 v12, v13  }
0x32: {  	v23 =	vmul.f32 v9, v9;
	v27 =	vsub.f32 v3, v4;
	v10 =	vsub.f32 v11, v10  }
0x33: {  	v22 =	vld [tilespmem:s23+$0xFFFFFDB0];
	v29 =	vmul.f32 v7, v7;
	v6 =	vsub.f32 v6, v25;
	v12 =	vsub.f32 v15, v12  }
0x34: {  	v28 =	vld [tilespmem:s23+$0xFFFFFE70];
	v13 =	vmul.f32 v5, v5;
	v15 =	vsub.f32 v5, v8;
	v25 =	vsub.f32 v7, v9  }
0x35: {  	v19 =	vld [tilespmem:s23+$0xFFFFFE20];
	v18 =	vadd.f32 v23, v18;
	v11 =	vmul.f32 v6, v6;
	v31 =	vmul.f32 v12, v12  }
0x36: {  	v30 =	vld [tilespmem:s23+$0xFFFFFE90];
	v26 =	vsub.f32 v26, v16;
	v15 =	vmul.f32 v15, v15;
	v23 =	vmul.f32 v25, v25  }
0x37: {  	v32 =	vld [tilespmem:s23+$0xFFFFFEE0];
	v13 =	vadd.f32 v29, v13;
	v11 =	vadd.f32 v31, v11;
	v31 =	vmul.f32 v10, v10  }
0x38: {  	v35 =	vld [tilespmem:s23+$0x220];
	v17 =	vadd.f32 v17, v18;
	v18 =	vmul.f32 v27, v27;
	v15 =	vadd.f32 v23, v15  }
0x39: {  	v37 =	vld [tilespmem:s23+$0xFFFFFFE0];
	v13 =	vadd.f32 v21, v13;
	v11 =	vadd.f32 v11, v31  }
0x3a: {  	v39 =	vld [tilespmem:s23+$0x30];
	v19 =	vsub.f32 v19, v22;
	v4 =	vmul.f32 v10, v4;
	v15 =	vadd.f32 v18, v15  }
0x3b: {  	v41 =	vld [tilespmem:s23+$0x40];
	v17 =	vmax.f32 v17, $1.000000020e-24;
	v13 =	vmax.f32 v13, $1.000000020e-24;
	v11 =	vmax.f32 v11, $1.000000020e-24  }
0x3c: {  	v43 =	vld [tilespmem:s23+$0x50];
	v15 =	vmax.f32 v15, $1.000000020e-24;
	v17 =	vmul.f32 v11, v17;
	v13 =	vmul.f32 v11, v13  }
0x3d: {  	v61 =	vld [tilespmem:s23+$0xA0];
	v22 =	vsub.f32 v30, v22;
	v3 =	vmul.f32 v10, v3;
	v11 =	vmul.f32 v11, v15  }
0x3e: {  	v48 =	vld [tilespmem:s23+$0xB0];
	v33 =	vshra.s32 v17, $0x1;
	v17 =	vmul.f32 $5.000000000e-01, v17;
	v34 =	vshra.s32 v13, $0x1  }
0x3f: {  	v44 =	vld [tilespmem:s23+$0xC0];
	v13 =	vmul.f32 $5.000000000e-01, v13;
	v36 =	vshra.s32 v11, $0x1;
	v33 =	vsub.s32 $0x5F3759DF, v33  }
0x40: {  	v50 =	vld [tilespmem:s23+$0x110];
	v11 =	vmul.f32 $5.000000000e-01, v11;
	v34 =	vsub.s32 $0x5F3759DF, v34;
	v38 =	vmul.f32 v33, v17  }
0x41: {  	v14 =	vld [tilespmem:s23+$0xFFFFFE80];
	v53 =	vmul.f32 v22, v26;
	v36 =	vsub.s32 $0x5F3759DF, v36;
	v40 =	vmul.f32 v34, v13  }
0x42: {  	v30 =	vld [tilespmem:s23+$0x290];
	v42 =	vmul.f32 v36, v11;
	v38 =	vmul.f32 v33, v38  }
0x43: {  	v20 =	vsub.f32 v28, v20;
	v27 =	vld [tilespmem:s23+$0xFFFFFFC0];
	v22 =	vmul.f32 v22, v24;
	v28 =	vmul.f32 v34, v40  }
0x44: {  	v25 =	vld [tilespmem:s23+$0xFFFFFEF0];
	v8 =	vmul.f32 v6, v8;
	v63 =	vmul.f32 v36, v42;
	v62 =	vsub.f32 $1.500000000e+00, v38  }
0x45: {  	v29 =	vld [tilespmem:s23+$0xFFFFFF00];
	v9 =	vmul.f32 v12, v9;
	v5 =	vmul.f32 v6, v5;
	v28 =	vsub.f32 $1.500000000e+00, v28  }
0x46: {  	v14 =	vsub.f32 v14, v16;
	v16 =	vld [tilespmem:s23+$0x120];
	v49 =	vsub.f32 $1.500000000e+00, v63;
	v33 =	vmul.f32 v33, v62  }
0x47: {  	v7 =	vmul.f32 v12, v7;
	v15 =	vld [tilespmem:s23+$0x1B0];
	v6 =	vmul.f32 v34, v28  }
0x48: {  	v23 =	vld [tilespmem:s23+$0xFFFFFF50];
	v28 =	vmul.f32 v36, v49;
	v17 =	vmul.f32 v33, v17  }
0x49: {  	v21 =	vld [tilespmem:s23+$0xFFFFFF60];
	v8 =	vadd.f32 v9, v8;
	v5 =	vadd.f32 v7, v5;
	v12 =	vmul.f32 v6, v13  }
0x4a: {  	v52 =	vsub.f32 v44, v43;
	v10 =	vld [tilespmem:s23+$0xFFFFFDE0];
	v11 =	vmul.f32 v28, v11;
	v9 =	vmul.f32 v17, v33  }
0x4b: {  	v18 =	vld [tilespmem:s23+$0xFFFFFF70];
	v4 =	vadd.f32 v8, v4;
	v3 =	vadd.f32 v5, v3;
	v7 =	vmul.f32 v12, v6  }
0x4c: {  	v31 =	vld [tilespmem:s23+$0xFFFFFFD0];
	v15 =	vmul.f32 v35, v15;
	v8 =	vsub.f32 $1.500000000e+00, v9;
	v9 =	vmul.f32 v11, v28  }
0x4d: {  	v55 =	vsub.f32 v16, v41;
	v16 =	vmul.f32 v14, v19;
	v34 =	vld [tilespmem:s23+$0xFFFFFDD0];
	v5 =	vsub.f32 $1.500000000e+00, v7  }
0x4e: {  	v13 =	vld [tilespmem:s23+$0x130];
	v11 =	vmul.f32 v30, v15;
	v8 =	vmul.f32 v8, v33;
	v9 =	vsub.f32 $1.500000000e+00, v9  }
0x4f: {  	v17 =	vld [tilespmem:s23+$0xFFFFFD70];
	v15 =	vsub.f32 v3, v4;
	v4 =	vand.u32 $0x7FFFFFFF, v4;
	v5 =	vmul.f32 v5, v6  }
0x50: {  	v12 =	vld [tilespmem:s23+$0xFFFFFEB0];
	v3 =	vand.u32 $0x7FFFFFFF, v3;
	v4 =	vmul.f32 v8, v4;
	v6 =	vmul.f32 v9, v28  }
0x51: {  	v19 =	vmul.f32 v20, v19;
	v7 =	vld [tilespmem:s23+$0xFFFFFE50];
	v3 =	vmul.f32 v5, v3;
	v9 =	vand.u32 $0x7FFFFFFF, v15  }
0x52: {  	v54 =	vsub.f32 v50, v39;
	v30 =	vld [tilespmem:s23+$0xFFFFFEC0];
	v4 =	vmul.f32 v4, v11;
	v6 =	vmul.f32 v6, v9  }
0x53: {  	v27 =	vsub.f32 v27, v32;
	v23 =	vsub.f32 v23, v32;
	v8 =	vld [tilespmem:s23+$0xFFFFFF20];
	v3 =	vmul.f32 v3, v11  }
0x54: {  	v21 =	vsub.f32 v21, v25;
	v19 =	vsub.f32 v19, v22;
	v15 =	vld [tilespmem:s23+$0xFFFFFF30];
	[tilespmem:$0x1FF70] =	vst v4;
	v51 =	vmul.f32 v6, v11  }
0x55: {  	v25 =	vsub.f32 v31, v25;
	v9 =	vsub.f32 v18, v29;
	v18 =	vld [tilespmem:s23+$0xFFFFFF90];
	[tilespmem:$0x1FF80] =	vst v3  }
0x56: {  	v50 =	vmul.f32 v54, v52;
	v31 =	vsub.f32 v61, v39;
	v13 =	vsub.f32 v13, v43;
	v28 =	vld [tilespmem:s23+$0xFFFFFFA0];
	[tilespmem:$0x1FF90] =	vst v51  }
0x57: {  	v24 =	vmul.f32 v14, v24;
	v33 =	vsub.f32 v48, v41;
	v11 =	vsub.f32 v37, v29;
	v29 =	vld [tilespmem:s23+$0x0]  }
0x58: {  	v16 =	vsub.f32 v53, v16;
	v42 =	vmul.f32 v19, v19;
	v49 =	vmul.f32 v55, v52;
	v36 =	vld [tilespmem:s23+$0x10]  }
0x59: {  	v52 =	vmul.f32 v55, v31;
	v46 =	vmul.f32 v13, v33;
	v7 =	vsub.f32 v7, v17;
	v56 =	vld [tilespmem:s23+$0x70]  }
0x5a: {  	v6 =	vsub.f32 v10, v17;
	v59 =	vmul.f32 v25, v9;
	v60 =	vmul.f32 v27, v9;
	v57 =	vld [tilespmem:s23+$0x80]  }
0x5b: {  	v37 =	vmul.f32 v16, v16;
	v8 =	vsub.f32 v8, v12;
	v3 =	vmul.f32 v20, v26;
	v17 =	vld [tilespmem:s23+$0xE0]  }
0x5c: {  	v26 =	vsub.f32 v46, v49;
	v49 =	vmul.f32 v7, v7;
	v58 =	vmul.f32 v11, v21;
	v47 =	vld [tilespmem:s23+$0xFFFFFD60]  }
0x5d: {  	v9 =	vsub.f32 v15, v30;
	v45 =	vmul.f32 v11, v23;
	v51 =	vmul.f32 v25, v23;
	v48 =	vld [tilespmem:s23+$0xFFFFFE40]  }
0x5e: {  	v53 =	vsub.f32 v7, v6;
	v7 =	vmul.f32 v19, v7;
	v25 =	vsub.f32 v58, v59  }
0x5f: {  	v39 =	vmul.f32 v26, v26;
	v24 =	vsub.f32 v24, v3;
	v10 =	vsub.f32 v18, v12  }
0x60: {  	v61 =	vld [tilespmem:s23+$0xF0];
	v59 =	vmul.f32 v25, v25;
	v11 =	vsub.f32 v28, v30;
	v12 =	vsub.f32 v56, v29  }
0x61: {  	v30 =	vmul.f32 v13, v31;
	v13 =	vsub.f32 v57, v36;
	v14 =	vsub.f32 v17, v29  }
0x62: {  	v32 =	vsub.f32 v34, v47;
	v28 =	vsub.f32 v48, v47;
	v48 =	vmul.f32 v27, v21  }
0x63: {  	v62 =	vld [tilespmem:s23+$0xFFFFFDF0];
	v29 =	vsub.f32 v60, v45;
	v55 =	vsub.f32 v10, v8;
	v47 =	vmul.f32 v6, v6  }
0x64: {  	v18 =	vld [tilespmem:s23+$0xFFFFFD80];
	v6 =	vmul.f32 v19, v6;
	v27 =	vsub.f32 v50, v30;
	v30 =	vmul.f32 v54, v33  }
0x65: {  	v15 =	vsub.f32 v61, v36;
	v33 =	vmul.f32 v53, v53;
	v61 =	vmul.f32 v29, v29  }
0x66: {  	v56 =	vsub.f32 v11, v9;
	v41 =	vmul.f32 v55, v55;
	v44 =	vmul.f32 v32, v32  }
0x67: {  	v63 =	vld [tilespmem:s23+$0xFFFFFE60];
	v31 =	vsub.f32 v28, v32;
	v55 =	vmul.f32 v12, v12;
	v32 =	vmul.f32 v16, v32  }
0x68: {  	v58 =	vsub.f32 v14, v12;
	v16 =	vmul.f32 v16, v28;
	v12 =	vmul.f32 v26, v12  }
0x69: {  	v22 =	vsub.f32 v62, v18;
	v62 =	vmul.f32 v27, v27;
	v3 =	vmul.f32 v56, v56  }
0x6a: {  	v20 =	vld [tilespmem:s23+$0xFFFFFF40];
	v30 =	vsub.f32 v52, v30;
	v52 =	vmul.f32 v9, v9;
	v56 =	vmul.f32 v14, v14  }
0x6b: {  	v17 =	vld [tilespmem:s23+$0xFFFFFED0];
	v60 =	vsub.f32 v15, v13;
	v9 =	vmul.f32 v29, v9;
	v14 =	vmul.f32 v26, v14  }
0x6c: {  	v21 =	vld [tilespmem:s23+$0xFFFFFFB0];
	v18 =	vsub.f32 v63, v18;
	v63 =	vmul.f32 v31, v31;
	v43 =	vmul.f32 v58, v58  }
0x6d: {  	v23 =	vld [tilespmem:s23+$0x20];
	v31 =	vsub.f32 v51, v48;
	v36 =	vmul.f32 v60, v60;
	v48 =	vmul.f32 v28, v28  }
0x6e: {  	v37 =	vadd.f32 v42, v37;
	v57 =	vld [tilespmem:s23+$0x100];
	v51 =	vmul.f32 v8, v8;
	v60 =	vmul.f32 v11, v11  }
0x6f: {  	v54 =	vld [tilespmem:s23+$0x90];
	v35 =	vadd.f32 v61, v59;
	v61 =	vmul.f32 v13, v13;
	v8 =	vmul.f32 v25, v8  }
0x70: {  	v11 =	vmul.f32 v29, v11;
	v6 =	vadd.f32 v6, v32;
	v20 =	vsub.f32 v20, v17  }
0x71: {  	v13 =	vmul.f32 v27, v13;
	v17 =	vsub.f32 v21, v17;
	v38 =	vadd.f32 v62, v39  }
0x72: {  	v62 =	vmul.f32 v15, v15;
	v34 =	vadd.f32 v3, v41;
	v3 =	vmul.f32 v30, v30  }
0x73: {  	v45 =	vsub.f32 v18, v22;
	v59 =	vmul.f32 v22, v22;
	v15 =	vmul.f32 v27, v15  }
0x74: {  	v22 =	vmul.f32 v24, v22;
	v21 =	vsub.f32 v54, v23;
	v23 =	vsub.f32 v57, v23  }
0x75: {  	v54 =	vmul.f32 v10, v10;
	v33 =	vadd.f32 v33, v63;
	v36 =	vadd.f32 v36, v43  }
0x76: {  	v57 =	vmul.f32 v24, v24;
	v43 =	vadd.f32 v47, v44;
	v44 =	vadd.f32 v49, v48  }
0x77: {  	v63 =	vmul.f32 v31, v31;
	v47 =	vadd.f32 v52, v51;
	v46 =	vadd.f32 v61, v55  }
0x78: {  	v10 =	vmul.f32 v25, v10;
	v12 =	vadd.f32 v13, v12;
	v13 =	vmul.f32 v24, v18  }
0x79: {  	v50 =	vsub.f32 v17, v20;
	v45 =	vmul.f32 v45, v45;
	v39 =	vadd.f32 v62, v56  }
0x7a: {  	v61 =	vmul.f32 v20, v20;
	v62 =	vmul.f32 v17, v17;
	v38 =	vadd.f32 v38, v3  }
0x7b: {  	v26 =	vld [tilespmem:s23+$0xFFFFFDC0];
	v14 =	vadd.f32 v15, v14;
	v15 =	vmul.f32 v31, v17;
	v6 =	vadd.f32 v6, v22  }
0x7c: {  	v29 =	vld [tilespmem:s23+$0xFFFFFE30];
	v53 =	vsub.f32 v23, v21;
	v42 =	vadd.f32 v60, v54;
	v60 =	vmul.f32 v18, v18  }
0x7d: {  	v35 =	vadd.f32 v35, v63;
	v63 =	vmul.f32 v21, v21;
	v3 =	vmul.f32 v23, v23  }
0x7e: {  	v37 =	vadd.f32 v37, v57;
	v18 =	vmul.f32 v31, v20;
	v17 =	vmul.f32 v30, v21  }
0x7f: {  	v43 =	vadd.f32 v59, v43;
	v22 =	vmul.f32 v30, v23;
	v48 =	vmul.f32 v50, v50  }
0x80: {  	v33 =	vadd.f32 v45, v33;
	v40 =	vadd.f32 v61, v47;
	v38 =	vmax.f32 v38, $1.000000020e-24  }
0x81: {  	v26 =	vmul.f32 v29, v26;
	v58 =	vmul.f32 v53, v53;
	v37 =	vmax.f32 v37, $1.000000020e-24  }
0x82: {  	v35 =	vmax.f32 v35, $1.000000020e-24;
	v44 =	vadd.f32 v60, v44;
	v42 =	vadd.f32 v62, v42  }
0x83: {  	v41 =	vadd.f32 v63, v46;
	v39 =	vadd.f32 v3, v39;
	v43 =	vmax.f32 v43, $1.000000020e-24  }
0x84: {  	v34 =	vadd.f32 v48, v34;
	v33 =	vmax.f32 v33, $1.000000020e-24;
	v40 =	vmax.f32 v40, $1.000000020e-24  }
0x85: {  	v43 =	vmul.f32 v37, v43;
	v36 =	vadd.f32 v58, v36;
	v44 =	vmax.f32 v44, $1.000000020e-24  }
0x86: {  	v42 =	vmax.f32 v42, $1.000000020e-24;
	v41 =	vmax.f32 v41, $1.000000020e-24;
	v33 =	vmul.f32 v37, v33  }
0x87: {  	v39 =	vmax.f32 v39, $1.000000020e-24;
	v51 =	vmul.f32 v35, v40;
	v44 =	vmul.f32 v37, v44  }
0x88: {  	v34 =	vmax.f32 v34, $1.000000020e-24;
	v42 =	vmul.f32 v35, v42;
	v41 =	vmul.f32 v38, v41  }
0x89: {  	v52 =	vshra.s32 v43, $0x1;
	v39 =	vmul.f32 v38, v39;
	v43 =	vmul.f32 $5.000000000e-01, v43  }
0x8a: {  	v36 =	vmax.f32 v36, $1.000000020e-24;
	v34 =	vmul.f32 v35, v34;
	v54 =	vshra.s32 v33, $0x1  }
0x8b: {  	v33 =	vmul.f32 $5.000000000e-01, v33;
	v55 =	vshra.s32 v51, $0x1;
	v37 =	vmul.f32 $5.000000000e-01, v51  }
0x8c: {  	v40 =	vsub.s32 $0x5F3759DF, v52;
	v53 =	vshra.s32 v44, $0x1;
	v36 =	vmul.f32 v38, v36  }
0x8d: {  	v38 =	vmul.f32 $5.000000000e-01, v44;
	v56 =	vshra.s32 v42, $0x1;
	v42 =	vmul.f32 $5.000000000e-01, v42  }
0x8e: {  	v58 =	vshra.s32 v41, $0x1;
	v41 =	vmul.f32 $5.000000000e-01, v41;
	v59 =	vshra.s32 v39, $0x1  }
0x8f: {  	v39 =	vmul.f32 $5.000000000e-01, v39;
	v45 =	vsub.s32 $0x5F3759DF, v54;
	v44 =	vsub.s32 $0x5F3759DF, v55  }
0x90: {  	v51 =	vmul.f32 v40, v43;
	v57 =	vshra.s32 v34, $0x1;
	v34 =	vmul.f32 $5.000000000e-01, v34  }
0x91: {  	v35 =	vsub.s32 $0x5F3759DF, v53;
	v46 =	vsub.s32 $0x5F3759DF, v56;
	v48 =	vsub.s32 $0x5F3759DF, v58  }
0x92: {  	v61 =	vmul.f32 v45, v33;
	v49 =	vsub.s32 $0x5F3759DF, v59;
	v62 =	vmul.f32 v44, v37  }
0x93: {  	v60 =	vshra.s32 v36, $0x1;
	v36 =	vmul.f32 $5.000000000e-01, v36;
	v52 =	vmul.f32 v35, v38  }
0x94: {  	v47 =	vsub.s32 $0x5F3759DF, v57;
	v63 =	vmul.f32 v46, v42;
	v58 =	vmul.f32 v49, v39  }
0x95: {  	v7 =	vadd.f32 v7, v16;
	v51 =	vmul.f32 v40, v51;
	v3 =	vmul.f32 v47, v34  }
0x96: {  	v50 =	vsub.s32 $0x5F3759DF, v60;
	v60 =	vmul.f32 v48, v41;
	v53 =	vmul.f32 v45, v61  }
0x97: {  	v8 =	vadd.f32 v9, v8;
	v54 =	vmul.f32 v44, v62;
	v59 =	vmul.f32 v50, v36  }
0x98: {  	v10 =	vadd.f32 v11, v10;
	v52 =	vmul.f32 v35, v52;
	v55 =	vmul.f32 v46, v63  }
0x99: {  	v51 =	vsub.f32 $1.500000000e+00, v51;
	v58 =	vmul.f32 v49, v58;
	v56 =	vmul.f32 v47, v3  }
0x9a: {  	v57 =	vmul.f32 v48, v60;
	v53 =	vsub.f32 $1.500000000e+00, v53;
	v54 =	vsub.f32 $1.500000000e+00, v54  }
0x9b: {  	v52 =	vsub.f32 $1.500000000e+00, v52;
	v59 =	vmul.f32 v50, v59;
	v40 =	vmul.f32 v40, v51  }
0x9c: {  	v61 =	vsub.f32 $1.500000000e+00, v55;
	v3 =	vsub.f32 $1.500000000e+00, v58;
	v45 =	vmul.f32 v45, v53  }
0x9d: {  	v62 =	vsub.f32 $1.500000000e+00, v56;
	v44 =	vmul.f32 v44, v54;
	v35 =	vmul.f32 v35, v52  }
0x9e: {  	v63 =	vsub.f32 $1.500000000e+00, v57;
	v46 =	vmul.f32 v46, v61;
	v49 =	vmul.f32 v49, v3  }
0x9f: {  	v20 =	vld [tilespmem:s23+$0xD0];
	v56 =	vsub.f32 $1.500000000e+00, v59;
	v19 =	vmul.f32 v40, v43;
	v47 =	vmul.f32 v47, v62  }
0xa0: {  	v21 =	vld [tilespmem:s23+$0xFFFFFEA0];
	v7 =	vadd.f32 v7, v13;
	v48 =	vmul.f32 v48, v63;
	v27 =	vmul.f32 v45, v33  }
0xa1: {  	s24 =	simm.s32 $0x858;
	v23 =	vld [tilespmem:s23+$0xFFFFFFF0];
	v8 =	vadd.f32 v8, v18;
	v28 =	vmul.f32 v44, v37;
	v50 =	vmul.f32 v50, v56  }
0xa2: {  	v30 =	vld [tilespmem:s24+$0x160];
	v10 =	vadd.f32 v10, v15;
	v25 =	vmul.f32 v35, v38;
	v16 =	vmul.f32 v46, v42  }
0xa3: {  	v31 =	vld [tilespmem:s24+$0x1C0];
	v12 =	vadd.f32 v12, v17;
	v59 =	vmul.f32 v49, v39;
	v19 =	vmul.f32 v19, v40  }
0xa4: {  	v29 =	vld [tilespmem:s24+$0x150];
	v14 =	vadd.f32 v14, v22;
	v57 =	vmul.f32 v47, v34;
	v9 =	vmul.f32 v48, v41  }
0xa5: {  	v17 =	vld [tilespmem:s24+$0x170];
	v62 =	vsub.f32 v7, v6;
	v24 =	vmul.f32 v27, v45;
	v18 =	vmul.f32 v28, v44  }
0xa6: {  	v22 =	vld [tilespmem:s24+$0x250];
	v6 =	vand.u32 $0x7FFFFFFF, v6;
	v11 =	vmul.f32 v50, v36;
	v13 =	vmul.f32 v25, v35  }
0xa7: {  	v60 =	vld [tilespmem:s23+$0xFFFFFF80];
	v32 =	vand.u32 $0x7FFFFFFF, v62;
	v15 =	vmul.f32 v16, v46;
	v27 =	vmul.f32 v59, v49  }
0xa8: {  	v58 =	vld [tilespmem:s23+$0xFFFFFF10];
	v19 =	vsub.f32 $1.500000000e+00, v19;
	v16 =	vmul.f32 v57, v47;
	v24 =	vsub.f32 $1.500000000e+00, v24  }
0xa9: {  	v51 =	vld [tilespmem:s24+$0x200];
	v9 =	vmul.f32 v9, v48;
	v18 =	vsub.f32 $1.500000000e+00, v18;
	v13 =	vsub.f32 $1.500000000e+00, v13  }
0xaa: {  	v61 =	vld [tilespmem:s23+$0x60];
	v11 =	vmul.f32 v11, v50;
	v15 =	vsub.f32 $1.500000000e+00, v15;
	v27 =	vsub.f32 $1.500000000e+00, v27  }
0xab: {  	v52 =	vld [tilespmem:s24+$0x210];
	v19 =	vmul.f32 v19, v40;
	v16 =	vsub.f32 $1.500000000e+00, v16;
	v9 =	vsub.f32 $1.500000000e+00, v9  }
0xac: {  	v63 =	vld [tilespmem:s24+$0x1D0];
	v24 =	vmul.f32 v24, v45;
	v45 =	vsub.f32 v10, v8;
	v18 =	vmul.f32 v18, v44  }
0xad: {  	v28 =	vld [tilespmem:s24+$0x1E0];
	v8 =	vand.u32 $0x7FFFFFFF, v8;
	v10 =	vand.u32 $0x7FFFFFFF, v10;
	v13 =	vmul.f32 v13, v35  }
0xae: {  	v25 =	vld [tilespmem:s23+$0x140];
	v11 =	vsub.f32 $1.500000000e+00, v11;
	v15 =	vmul.f32 v15, v46;
	v27 =	vmul.f32 v27, v49  }
0xaf: {  	v46 =	vld [tilespmem:s24+$0x180];
	v19 =	vmul.f32 v19, v6;
	v6 =	vand.u32 $0x7FFFFFFF, v12;
	v16 =	vmul.f32 v16, v47  }
0xb0: {  	v49 =	vld [tilespmem:s24+$0x1A0];
	v47 =	vsub.f32 v14, v12;
	v9 =	vmul.f32 v9, v48;
	v12 =	vmul.f32 v24, v32  }
0xb1: {  	v48 =	vld [tilespmem:s24+$0x190];
	v18 =	vmul.f32 v18, v8;
	v14 =	vand.u32 $0x7FFFFFFF, v14;
	v11 =	vmul.f32 v11, v50  }
0xb2: {  	v35 =	vand.u32 $0x7FFFFFFF, v45;
	v8 =	vld [tilespmem:s24+$0x270];
	v24 =	vmul.f32 v15, v10;
	v54 =	vmul.f32 v27, v14  }
0xb3: {  	v50 =	vld [tilespmem:s24+$0x1F0];
	v15 =	vmul.f32 v16, v35;
	v16 =	vand.u32 $0x7FFFFFFF, v47;
	v53 =	vmul.f32 v9, v6  }
0xb4: {  	v10 =	vld [tilespmem:s24+$0x280];
	[tilespmem:$0x1FF60] =	vst v54;
	v55 =	vmul.f32 v11, v16  }
0xb5: {  	[tilespmem:$0x1FF50] =	vst v53  }
0xb6: {  	v14 =	vld [tilespmem:s24+$0x260];
	[tilespmem:$0x1FFC0] =	vst v55  }
0xb7: {  	v33 =	vmul.f32 v60, v58;
	v27 =	vsub.f32 v28, v17;
	v17 =	vsub.f32 v22, v17;
	v22 =	vld [tilespmem:s24+$0x230]  }
0xb8: {  	v21 =	vmul.f32 v21, v26;
	v26 =	vsub.f32 v31, v29;
	v20 =	vmul.f32 v20, v61;
	v31 =	vld [tilespmem:s24+$0x240]  }
0xb9: {  	v16 =	vmul.f32 v23, v33;
	v33 =	vld [tilespmem:s24+$0xFFFFFD90]  }
0xba: {  	v11 =	vmul.f32 v25, v20;
	v25 =	vld [tilespmem:s24+$0xFFFFFDA0]  }
0xbb: {  	v7 =	vand.u32 $0x7FFFFFFF, v7;
	v59 =	vmul.f32 v26, v26;
	v28 =	vsub.f32 v63, v30;
	v61 =	vld [tilespmem:s24+$0xFFFFFE00]  }
0xbc: {  	v13 =	vmul.f32 v13, v7;
	v9 =	vmul.f32 v19, v21;
	v62 =	vld [tilespmem:s24+$0xFFFFFE10]  }
0xbd: {  	v57 =	vmul.f32 v27, v27;
	v60 =	vmul.f32 v28, v28;
	v63 =	vsub.f32 v17, v27;
	v3 =	vld [tilespmem:s24+$0xFFFFFE70]  }
0xbe: {  	v58 =	vmul.f32 v17, v17;
	v20 =	vsub.f32 v52, v49;
	v8 =	vsub.f32 v8, v48;
	v32 =	vld [tilespmem:s24+$0xFFFFFE80]  }
0xbf: {  	v13 =	vmul.f32 v13, v21;
	v37 =	vadd.f32 v60, v59;
	v23 =	vsub.f32 v50, v46;
	v47 =	vld [tilespmem:s24+$0xFFFFFEE0]  }
0xc0: {  	v56 =	vsub.f32 v51, v48;
	v10 =	vsub.f32 v10, v49;
	v38 =	vld [tilespmem:s24+$0xFFFFFF50];
	v40 =	vmul.f32 v8, v20  }
0xc1: {  	v34 =	vadd.f32 v57, v37;
	v57 =	vmul.f32 v63, v63;
	v8 =	vmul.f32 v8, v23  }
0xc2: {  	v14 =	vsub.f32 v14, v46;
	v22 =	vsub.f32 v22, v29;
	v29 =	vmul.f32 v10, v56  }
0xc3: {  	v30 =	vsub.f32 v31, v30;
	v10 =	vmul.f32 v10, v23;
	v39 =	vsub.f32 v61, v33  }
0xc4: {  	v41 =	vsub.f32 v62, v25;
	v33 =	vsub.f32 v3, v33;
	v20 =	vmul.f32 v14, v20  }
0xc5: {  	v36 =	vld [tilespmem:s24+$0xFFFFFDB0];
	v25 =	vsub.f32 v32, v25;
	v38 =	vsub.f32 v38, v47;
	v23 =	vmul.f32 v22, v22  }
0xc6: {  	v31 =	vld [tilespmem:s24+$0xFFFFFE20];
	v29 =	vsub.f32 v29, v40;
	v20 =	vsub.f32 v20, v10;
	v10 =	vmul.f32 v14, v56  }
0xc7: {  	v45 =	vld [tilespmem:s24+$0xFFFFFE90];
	v53 =	vsub.f32 v30, v28;
	v54 =	vmul.f32 v30, v30;
	v14 =	vsub.f32 v22, v26  }
0xc8: {  	v44 =	vld [tilespmem:s24+$0xFFFFFF00];
	v46 =	vsub.f32 v8, v10;
	v8 =	vmul.f32 v29, v29;
	v10 =	vmul.f32 v20, v20  }
0xc9: {  	v35 =	vld [tilespmem:s24+$0xFFFFFF60];
	v55 =	vmul.f32 v53, v53;
	v23 =	vadd.f32 v54, v23;
	v26 =	vmul.f32 v29, v26  }
0xca: {  	v42 =	vld [tilespmem:s24+$0xFFFFFFD0];
	v14 =	vmul.f32 v14, v14;
	v10 =	vadd.f32 v10, v8;
	v56 =	vmul.f32 v46, v46  }
0xcb: {  	v49 =	vld [tilespmem:s24+$0x220];
	v31 =	vsub.f32 v31, v36;
	v28 =	vmul.f32 v20, v28;
	v23 =	vadd.f32 v58, v23  }
0xcc: {  	v51 =	vld [tilespmem:s24+$0xFFFFFFE0];
	v22 =	vmul.f32 v29, v22;
	v14 =	vadd.f32 v55, v14;
	v19 =	vadd.f32 v10, v56  }
0xcd: {  	v3 =	vld [tilespmem:s24+$0xC0];
	v27 =	vmul.f32 v46, v27;
	v26 =	vadd.f32 v28, v26;
	v10 =	vmul.f32 v12, v21  }
0xce: {  	v40 =	vld [tilespmem:s24+$0xFFFFFEF0];
	v12 =	vadd.f32 v57, v14;
	v14 =	vmax.f32 v19, $1.000000020e-24;
	v19 =	vmax.f32 v34, $1.000000020e-24  }
0xcf: {  	v54 =	vld [tilespmem:s24+$0x30];
	v17 =	vmul.f32 v46, v17;
	v23 =	vmax.f32 v23, $1.000000020e-24;
	v19 =	vmul.f32 v14, v19  }
0xd0: {  	v29 =	vld [tilespmem:s24+$0x120];
	v37 =	vmax.f32 v12, $1.000000020e-24;
	v12 =	vmul.f32 v18, v16;
	v23 =	vmul.f32 v14, v23  }
0xd1: {  	v55 =	vld [tilespmem:s24+$0x40];
	v14 =	vmul.f32 v14, v37;
	v18 =	vshra.s32 v19, $0x1;
	v19 =	vmul.f32 $5.000000000e-01, v19  }
0xd2: {  	v46 =	vld [tilespmem:s24+$0xFFFFFDD0];
	v58 =	vshra.s32 v23, $0x1;
	v23 =	vmul.f32 $5.000000000e-01, v23;
	v18 =	vsub.s32 $0x5F3759DF, v18  }
0xd3: {  	v21 =	vld [tilespmem:s24+$0xFFFFFF70];
	v53 =	vmul.f32 $5.000000000e-01, v14;
	v48 =	vsub.s32 $0x5F3759DF, v58;
	v60 =	vmul.f32 v18, v19  }
0xd4: {  	v34 =	vld [tilespmem:s24+$0xFFFFFFC0];
	v59 =	vshra.s32 v14, $0x1;
	v14 =	vmul.f32 v24, v16;
	v24 =	vmul.f32 v48, v23  }
0xd5: {  	v35 =	vsub.f32 v35, v40;
	v57 =	vld [tilespmem:s24+$0x50];
	v50 =	vsub.s32 $0x5F3759DF, v59;
	v52 =	vmul.f32 v18, v60  }
0xd6: {  	v56 =	vld [tilespmem:s24+$0xB0];
	v61 =	vmul.f32 v50, v53;
	v24 =	vmul.f32 v48, v24;
	v60 =	vsub.f32 v45, v36  }
0xd7: {  	v42 =	vsub.f32 v42, v40;
	v37 =	vld [tilespmem:s24+$0x1B0];
	v62 =	vsub.f32 $1.500000000e+00, v52  }
0xd8: {  	v58 =	vld [tilespmem:s24+$0xA0];
	v63 =	vmul.f32 v50, v61;
	v24 =	vsub.f32 $1.500000000e+00, v24;
	v32 =	vmul.f32 v60, v39  }
0xd9: {  	v34 =	vsub.f32 v34, v47;
	v36 =	vld [tilespmem:s24+$0xFFFFFF30];
	v39 =	vmul.f32 v25, v39;
	v43 =	vmul.f32 v18, v62  }
0xda: {  	v45 =	vld [tilespmem:s24+$0x0];
	v18 =	vsub.f32 $1.500000000e+00, v63;
	v24 =	vmul.f32 v48, v24;
	v63 =	vsub.f32 v21, v44  }
0xdb: {  	v52 =	vld [tilespmem:s24+$0x110];
	v44 =	vsub.f32 v51, v44;
	v51 =	vmul.f32 v60, v41;
	v19 =	vmul.f32 v43, v19  }
0xdc: {  	v26 =	vadd.f32 v26, v27;
	v62 =	vld [tilespmem:s24+$0x290];
	v61 =	vmul.f32 v50, v18;
	v18 =	vmul.f32 v20, v30  }
0xdd: {  	v47 =	vsub.f32 v58, v54;
	v20 =	vmul.f32 v24, v23;
	v23 =	vld [tilespmem:s24+$0x130];
	v58 =	vmul.f32 v34, v63  }
0xde: {  	v29 =	vsub.f32 v29, v55;
	v30 =	vld [tilespmem:s24+$0xFFFFFD70];
	v59 =	vmul.f32 v44, v38;
	v28 =	vmul.f32 v61, v53  }
0xdf: {  	v38 =	vmul.f32 v42, v38;
	v19 =	vmul.f32 v19, v43;
	v22 =	vadd.f32 v18, v22;
	v53 =	vld [tilespmem:s24+$0x10]  }
0xe0: {  	v52 =	vsub.f32 v52, v54;
	v20 =	vmul.f32 v20, v24;
	v27 =	vmul.f32 v28, v61;
	v28 =	vld [tilespmem:s24+$0xFFFFFDE0]  }
0xe1: {  	v54 =	vmul.f32 v25, v31;
	v18 =	vmul.f32 v15, v16;
	v15 =	vadd.f32 v22, v17;
	v22 =	vld [tilespmem:s24+$0xFFFFFE50]  }
0xe2: {  	v19 =	vsub.f32 $1.500000000e+00, v19;
	v16 =	vsub.f32 $1.500000000e+00, v20;
	v17 =	vmul.f32 v49, v37;
	v37 =	vld [tilespmem:s24+$0xFFFFFEB0]  }
0xe3: {  	v49 =	vsub.f32 v56, v55;
	v55 =	vld [tilespmem:s24+$0x70];
	v56 =	vmul.f32 v44, v35;
	v23 =	vsub.f32 v23, v57  }
0xe4: {  	v44 =	vld [tilespmem:s24+$0xF0];
	v19 =	vmul.f32 v19, v43;
	v20 =	vsub.f32 $1.500000000e+00, v27;
	v27 =	vsub.f32 v15, v26  }
0xe5: {  	v26 =	vand.u32 $0x7FFFFFFF, v26;
	v16 =	vmul.f32 v16, v24;
	v24 =	vmul.f32 v62, v17;
	v43 =	vld [tilespmem:s24+$0xE0]  }
0xe6: {  	v17 =	vmul.f32 v19, v26;
	v19 =	vld [tilespmem:s24+$0xFFFFFEC0];
	v20 =	vmul.f32 v20, v61  }
0xe7: {  	v15 =	vand.u32 $0x7FFFFFFF, v15;
	v60 =	vmul.f32 v23, v49;
	v26 =	vand.u32 $0x7FFFFFFF, v27;
	v27 =	vld [tilespmem:s24+$0xFFFFFF20]  }
0xe8: {  	v3 =	vsub.f32 v3, v57;
	v16 =	vmul.f32 v16, v15;
	v61 =	vld [tilespmem:s24+$0xFFFFFD60];
	v20 =	vmul.f32 v20, v26  }
0xe9: {  	v48 =	vld [tilespmem:s24+$0xFFFFFE40];
	v21 =	vsub.f32 v22, v30;
	v25 =	vsub.f32 v44, v53;
	v15 =	vmul.f32 v17, v24  }
0xea: {  	v40 =	vld [tilespmem:s24+$0xFFFFFFA0];
	v17 =	vmul.f32 v16, v24;
	v16 =	vmul.f32 v20, v24;
	v20 =	vsub.f32 v28, v30  }
0xeb: {  	v26 =	vld [tilespmem:s24+$0xFFFFFF90];
	v30 =	vmul.f32 v42, v63;
	v63 =	vmul.f32 v23, v47;
	v23 =	vsub.f32 v55, v45  }
0xec: {  	v50 =	vmul.f32 v52, v3;
	v57 =	vld [tilespmem:s24+$0x80];
	v22 =	vsub.f32 v27, v37;
	v24 =	vsub.f32 v36, v19  }
0xed: {  	v42 =	vmul.f32 v34, v35;
	v27 =	vsub.f32 v43, v45;
	v45 =	vsub.f32 v46, v61  }
0xee: {  	v36 =	vmul.f32 v29, v3;
	v44 =	vsub.f32 v48, v61;
	v43 =	vsub.f32 v56, v30  }
0xef: {  	v46 =	vmul.f32 v29, v47;
	v29 =	vsub.f32 v50, v63;
	v50 =	vsub.f32 v21, v20  }
0xf0: {  	v31 =	vmul.f32 v33, v31;
	v42 =	vsub.f32 v38, v42;
	v28 =	vsub.f32 v26, v37  }
0xf1: {  	v62 =	vld [tilespmem:s24+$0xFFFFFD80];
	v48 =	vmul.f32 v52, v49;
	v26 =	vsub.f32 v40, v19;
	v19 =	vsub.f32 v57, v53  }
0xf2: {  	v55 =	vld [tilespmem:s24+$0xFFFFFE60];
	v61 =	vmul.f32 v21, v21;
	v37 =	vsub.f32 v51, v54;
	v40 =	vsub.f32 v31, v32  }
0xf3: {  	v51 =	vmul.f32 v33, v41;
	v41 =	vsub.f32 v58, v59;
	v36 =	vsub.f32 v60, v36  }
0xf4: {  	v3 =	vld [tilespmem:s24+$0xFFFFFDF0];
	v49 =	vsub.f32 v44, v45;
	v59 =	vsub.f32 v27, v23;
	v63 =	vmul.f32 v22, v22  }
0xf5: {  	v47 =	vld [tilespmem:s24+$0x20];
	v38 =	vsub.f32 v46, v48;
	v58 =	vmul.f32 v43, v43;
	v50 =	vmul.f32 v50, v50  }
0xf6: {  	v30 =	vld [tilespmem:s24+$0x90];
	v52 =	vmul.f32 v37, v37;
	v53 =	vmul.f32 v40, v40;
	v54 =	vsub.f32 v28, v22  }
0xf7: {  	v56 =	vsub.f32 v26, v24;
	v34 =	vsub.f32 v55, v62;
	v5 =	vmul.f32 v41, v41  }
0xf8: {  	v35 =	vld [tilespmem:s24+$0xFFFFFFB0];
	v55 =	vmul.f32 v36, v36;
	v39 =	vsub.f32 v39, v51;
	v51 =	vmul.f32 v29, v29  }
0xf9: {  	v32 =	vld [tilespmem:s24+$0xFFFFFED0];
	v60 =	vsub.f32 v25, v19;
	v49 =	vmul.f32 v49, v49;
	v46 =	vmul.f32 v59, v59  }
0xfa: {  	v31 =	vld [tilespmem:s24+$0xFFFFFF40];
	v59 =	vmul.f32 v20, v20;
	v33 =	vsub.f32 v3, v62;
	v3 =	vmul.f32 v24, v24  }
0xfb: {  	v57 =	vld [tilespmem:s24+$0x100];
	v24 =	vmul.f32 v41, v24;
	v30 =	vsub.f32 v30, v47;
	v48 =	vmul.f32 v60, v60  }
0xfc: {  	v60 =	vmul.f32 v44, v44;
	v52 =	vadd.f32 v53, v52;
	v53 =	vmul.f32 v28, v28  }
0xfd: {  	v5 =	vadd.f32 v5, v58;
	v58 =	vmul.f32 v26, v26;
	v51 =	vadd.f32 v51, v55  }
0xfe: {  	v55 =	vmul.f32 v23, v23;
	v49 =	vadd.f32 v50, v49;
	v50 =	vmul.f32 v19, v19  }
0xff: {  	v26 =	vmul.f32 v41, v26;
	v23 =	vmul.f32 v36, v23;
	v31 =	vsub.f32 v31, v32  }
0x100: {  	v19 =	vmul.f32 v29, v19;
	v32 =	vsub.f32 v35, v32;
	v35 =	vsub.f32 v57, v47  }
0x101: {  	v47 =	vmul.f32 v54, v54;
	v54 =	vmul.f32 v56, v56;
	v56 =	vsub.f32 v34, v33  }
0x102: {  	v57 =	vmul.f32 v45, v45;
	v3 =	vadd.f32 v3, v63;
	v63 =	vmul.f32 v38, v38  }
0x103: {  	v46 =	vadd.f32 v48, v46;
	v48 =	vmul.f32 v25, v25;
	v60 =	vadd.f32 v61, v60  }
0x104: {  	v61 =	vmul.f32 v42, v42;
	v53 =	vadd.f32 v58, v53;
	v50 =	vadd.f32 v50, v55  }
0x105: {  	v55 =	vmul.f32 v34, v34;
	v25 =	vmul.f32 v29, v25;
	v62 =	vsub.f32 v32, v31  }
0x106: {  	v4 =	vsub.f32 v35, v30;
	v47 =	vadd.f32 v54, v47;
	v54 =	vmul.f32 v27, v27  }
0x107: {  	v57 =	vadd.f32 v59, v57;
	v59 =	vmul.f32 v39, v39;
	v56 =	vmul.f32 v56, v56  }
0x108: {  	v51 =	vadd.f32 v51, v63;
	v63 =	vmul.f32 v35, v35;
	v27 =	vmul.f32 v36, v27  }
0x109: {  	v35 =	vmul.f32 v38, v35;
	v5 =	vadd.f32 v5, v61;
	v61 =	vmul.f32 v32, v32  }
0x10a: {  	v32 =	vmul.f32 v42, v32;
	v58 =	vmul.f32 v62, v62;
	v48 =	vadd.f32 v48, v54  }
0x10b: {  	v4 =	vmul.f32 v4, v4;
	v52 =	vadd.f32 v52, v59;
	v54 =	vmul.f32 v33, v33  }
0x10c: {  	v59 =	vmul.f32 v31, v31;
	v62 =	vmul.f32 v30, v30;
	v49 =	vadd.f32 v56, v49  }
0x10d: {  	v51 =	vmax.f32 v51, $1.000000020e-24;
	v25 =	vadd.f32 v25, v27;
	v27 =	vmul.f32 v39, v33  }
0x10e: {  	v31 =	vmul.f32 v42, v31;
	v53 =	vadd.f32 v61, v53;
	v47 =	vadd.f32 v58, v47  }
0x10f: {  	v5 =	vmax.f32 v5, $1.000000020e-24;
	v54 =	vadd.f32 v54, v57;
	v4 =	vadd.f32 v4, v46  }
0x110: {  	v52 =	vmax.f32 v52, $1.000000020e-24;
	v58 =	vadd.f32 v55, v60;
	v3 =	vadd.f32 v59, v3  }
0x111: {  	v49 =	vmax.f32 v49, $1.000000020e-24;
	v50 =	vadd.f32 v62, v50;
	v48 =	vadd.f32 v63, v48  }
0x112: {  	v53 =	vmax.f32 v53, $1.000000020e-24;
	v49 =	vmul.f32 v52, v49;
	v47 =	vmax.f32 v47, $1.000000020e-24  }
0x113: {  	v4 =	vmax.f32 v4, $1.000000020e-24;
	v54 =	vmax.f32 v54, $1.000000020e-24;
	v46 =	vmax.f32 v58, $1.000000020e-24  }
0x114: {  	v3 =	vmax.f32 v3, $1.000000020e-24;
	v60 =	vmul.f32 v5, v53;
	v54 =	vmul.f32 v52, v54  }
0x115: {  	v50 =	vmax.f32 v50, $1.000000020e-24;
	v46 =	vmul.f32 v52, v46;
	v3 =	vmul.f32 v5, v3  }
0x116: {  	v48 =	vmax.f32 v48, $1.000000020e-24;
	v5 =	vmul.f32 v5, v47;
	v50 =	vmul.f32 v51, v50  }
0x117: {  	v48 =	vmul.f32 v51, v48;
	v4 =	vmul.f32 v51, v4;
	v63 =	vshra.s32 v49, $0x1  }
0x118: {  	v56 =	vmul.f32 $5.000000000e-01, v49;
	v49 =	vshra.s32 v60, $0x1;
	v52 =	vmul.f32 $5.000000000e-01, v60  }
0x119: {  	v51 =	vsub.s32 $0x5F3759DF, v63;
	v61 =	vshra.s32 v54, $0x1;
	v62 =	vshra.s32 v46, $0x1  }
0x11a: {  	v54 =	vmul.f32 $5.000000000e-01, v54;
	v55 =	vmul.f32 $5.000000000e-01, v46;
	v46 =	vshra.s32 v3, $0x1  }
0x11b: {  	v8 =	vmul.f32 $5.000000000e-01, v3;
	v57 =	vshra.s32 v5, $0x1;
	v7 =	vmul.f32 $5.000000000e-01, v5  }
0x11c: {  	v59 =	vmul.f32 $5.000000000e-01, v50;
	v50 =	vshra.s32 v50, $0x1;
	v47 =	vsub.s32 $0x5F3759DF, v61  }
0x11d: {  	v3 =	vmul.f32 v51, v56;
	v53 =	vsub.s32 $0x5F3759DF, v62;
	v58 =	vmul.f32 v47, v54  }
0x11e: {  	v63 =	vmul.f32 $5.000000000e-01, v48;
	v49 =	vsub.s32 $0x5F3759DF, v49;
	v60 =	vmul.f32 v53, v55  }
0x11f: {  	v62 =	vshra.s32 v48, $0x1;
	v61 =	vmul.f32 v51, v3;
	v58 =	vmul.f32 v47, v58  }
0x120: {  	v3 =	vsub.s32 $0x5F3759DF, v46;
	v62 =	vsub.s32 $0x5F3759DF, v62;
	v48 =	vmul.f32 v53, v60  }
0x121: {  	v5 =	vmul.f32 v62, v63;
	v60 =	vmul.f32 $5.000000000e-01, v4;
	v58 =	vsub.f32 $1.500000000e+00, v58  }
0x122: {  	v46 =	vsub.f32 $1.500000000e+00, v48;
	v48 =	vsub.f32 $1.500000000e+00, v61;
	v61 =	vmul.f32 v49, v52  }
0x123: {  	v57 =	vsub.s32 $0x5F3759DF, v57;
	v58 =	vmul.f32 v47, v58;
	v47 =	vmul.f32 v3, v8  }
0x124: {  	v4 =	vshra.s32 v4, $0x1;
	v53 =	vmul.f32 v53, v46;
	v51 =	vmul.f32 v51, v48  }
0x125: {  	v46 =	vsub.s32 $0x5F3759DF, v50;
	v48 =	vmul.f32 v57, v7;
	v47 =	vmul.f32 v3, v47  }
0x126: {  	v4 =	vsub.s32 $0x5F3759DF, v4;
	v5 =	vmul.f32 v62, v5;
	v50 =	vmul.f32 v46, v59  }
0x127: {  	v61 =	vmul.f32 v49, v61;
	v48 =	vmul.f32 v57, v48;
	v47 =	vsub.f32 $1.500000000e+00, v47  }
0x128: {  	v23 =	vadd.f32 v19, v23;
	v6 =	vmul.f32 v4, v60;
	v50 =	vmul.f32 v46, v50  }
0x129: {  	v48 =	vsub.f32 $1.500000000e+00, v48;
	v47 =	vmul.f32 v3, v47;
	v3 =	vsub.f32 $1.500000000e+00, v61  }
0x12a: {  	v30 =	vmul.f32 v38, v30;
	v6 =	vmul.f32 v4, v6;
	v61 =	vsub.f32 $1.500000000e+00, v50  }
0x12b: {  	v50 =	vmul.f32 v49, v3;
	v49 =	vmul.f32 v57, v48;
	v57 =	vsub.f32 $1.500000000e+00, v5  }
0x12c: {  	v48 =	vmul.f32 v46, v61;
	v5 =	vsub.f32 $1.500000000e+00, v6;
	v6 =	vmul.f32 v37, v45  }
0x12d: {  	v30 =	vadd.f32 v23, v30;
	v61 =	vmul.f32 v40, v20;
	v45 =	vmul.f32 v62, v57  }
0x12e: {  	v25 =	vadd.f32 v25, v35;
	v20 =	vmul.f32 v4, v5;
	v57 =	vmul.f32 v37, v44  }
0x12f: {  	s19 =	simm.s32 $0x3;
	s25 =	simm.s32 $0x1;
	v4 =	vmul.f32 v40, v21;
	v5 =	vadd.f32 v61, v6;
	v6 =	vmul.f32 v43, v22  }
0x130: {  	v21 =	vmul.f32 v43, v28;
	v22 =	vmov s19;
	v61 =	vmov s25  }
0x131: {  	v62 =	vmul.f32 v39, v34;
	v43 =	vmul.f32 v53, v55;
	v22 =	vand.u32 $0x3F, v22  }
0x132: {  	v52 =	vmul.f32 v50, v52;
	v3 =	vadd.f32 v4, v57;
	v4 =	vadd.s32 v0, v22;
	v57 =	vld [tilespmem:$0x1FF70]  }
0x133: {  	v46 =	vld [tilespmem:$0x1FF60];
	v55 =	vmul.f32 v48, v59;
	v36 =	vand.u32 $0x3D, v61;
	v61 =	vmul.f32 v47, v8  }
0x134: {  	s26 =	simm.s32 $0x2;
	v28 =	vadd.s32 v1, v22;
	v22 =	vadd.s32 v2, v22;
	v6 =	vadd.f32 v24, v6  }
0x135: {  	s28 =	simm.s32 $0x7;
	v24 =	vmov s22;
	v21 =	vadd.f32 v26, v21;
	v26 =	vmov s26  }
0x136: {  	v34 =	vadd.s32 v1, v36;
	v5 =	vadd.f32 v5, v27;
	v27 =	vmov s28  }
0x137: {  	v44 =	vld [tilespmem:$0x1FF50];
	v24 =	vand.u32 $0x3C, v24;
	v19 =	vand.u32 $0x3E, v26;
	v26 =	vadd.s32 v0, v36;
	[tilespmem:v4+s12+$0x0] =	vst.idx.msk $0xffff, v57  }
0x138: {  	v36 =	vadd.s32 v2, v36;
	v27 =	vand.u32 $0x3F, v27;
	v41 =	vmul.f32 v46, v11;
	v8 =	vld [tilespmem:$0x1FF80]  }
0x139: {  	v29 =	vadd.s32 v0, v24;
	v37 =	vadd.s32 v1, v24;
	v24 =	vadd.s32 v2, v24  }
0x13a: {  	v39 =	vadd.s32 v0, v19;
	v38 =	vadd.s32 v1, v19;
	v3 =	vadd.f32 v3, v62  }
0x13b: {  	v33 =	vadd.s32 v0, v27;
	v31 =	vadd.f32 v6, v31;
	v42 =	vadd.s32 v1, v27  }
0x13c: {  	v23 =	vld [tilespmem:s24+$0xFFFFFDC0];
	v27 =	vadd.s32 v2, v27;
	v6 =	vmul.f32 v58, v54;
	v21 =	vadd.f32 v21, v32  }
0x13d: {  	s29 =	simm.s32 $0x4;
	v62 =	vmul.f32 v49, v7;
	v40 =	vmul.f32 v44, v11;
	v4 =	vld [tilespmem:s24+$0xFFFFFE30];
	[tilespmem:v28+s12+$0x0] =	vst.idx.msk $0xffff, v8  }
0x13e: {  	v54 =	vmov s29;
	v44 =	vmul.f32 v51, v56;
	v6 =	vmul.f32 v6, v58;
	v7 =	vld [tilespmem:$0x1FF90];
	[tilespmem:v29+s12+$0x0] =	vst.idx.msk $0xffff, v9  }
0x13f: {  	v32 =	vand.u32 $0x3C, v54;
	v54 =	vsub.f32 v25, v30;
	v62 =	vmul.f32 v62, v49;
	[tilespmem:v26+s12+$0x0] =	vst.idx.msk $0xffff, v12  }
0x140: {  	s30 =	simm.s32 $0x5;
	v56 =	vld [tilespmem:s24+$0x60];
	v6 =	vsub.f32 $1.500000000e+00, v6;
	v8 =	vadd.s32 v0, v32;
	v9 =	vmul.f32 v45, v63;
	[tilespmem:v39+s12+$0x0] =	vst.idx.msk $0xffff, v40  }
0x141: {  	v28 =	vmov s30;
	v29 =	vmul.f32 v20, v60;
	v60 =	vld [tilespmem:s24+$0xD0];
	[tilespmem:v37+s12+$0x0] =	vst.idx.msk $0xffff, v13;
	v37 =	vmul.f32 v44, v51  }
0x142: {  	s17 =	simm.s32 $0xD98;
	v12 =	vld [tilespmem:s24+$0xFFFFFFF0];
	[tilespmem:v33+s12+$0x0] =	vst.idx.msk $0xffff, v15;
	v15 =	vand.u32 $0x7FFFFFFF, v31;
	v44 =	vmul.f32 v4, v23;
	v4 =	vmul.f32 v6, v58  }
0x143: {  	v40 =	vld [tilespmem:s17+$0x1C0];
	v23 =	vmul.f32 v61, v47;
	v6 =	vadd.s32 v2, v32;
	v61 =	vmul.f32 v52, v50  }
0x144: {  	v33 =	vld [tilespmem:s17+$0x1A0];
	[tilespmem:v34+s12+$0x0] =	vst.idx.msk $0xffff, v14;
	v14 =	vsub.f32 $1.500000000e+00, v62;
	v52 =	vsub.f32 v21, v31;
	v21 =	vand.u32 $0x7FFFFFFF, v21  }
0x145: {  	v13 =	vld [tilespmem:s24+$0xFFFFFF10];
	[tilespmem:v24+s12+$0x0] =	vst.idx.msk $0xffff, v10;
	v24 =	vmul.f32 v55, v48;
	v9 =	vmul.f32 v9, v45;
	v37 =	vsub.f32 $1.500000000e+00, v37  }
0x146: {  	v34 =	vld [tilespmem:s24+$0x140];
	v26 =	vmul.f32 v29, v20;
	v23 =	vsub.f32 $1.500000000e+00, v23;
	v29 =	vsub.f32 $1.500000000e+00, v61  }
0x147: {  	v31 =	vld [tilespmem:s17+$0x180];
	[tilespmem:v36+s12+$0x0] =	vst.idx.msk $0xffff, v18;
	v14 =	vmul.f32 v14, v49;
	v24 =	vsub.f32 $1.500000000e+00, v24;
	v9 =	vsub.f32 $1.500000000e+00, v9  }
0x148: {  	s31 =	simm.s32 $0x6;
	v62 =	vld [tilespmem:s17+$0x200];
	v26 =	vsub.f32 $1.500000000e+00, v26;
	[tilespmem:v22+s12+$0x0] =	vst.idx.msk $0xffff, v7;
	v7 =	vmul.f32 v43, v53;
	v18 =	vmul.f32 v37, v51  }
0x149: {  	v10 =	vld [tilespmem:s24+$0xFFFFFEA0];
	v22 =	vmov s31;
	v29 =	vmul.f32 v29, v50;
	v55 =	vmul.f32 v60, v56  }
0x14a: {  	v43 =	vld [tilespmem:s24+$0xFFFFFF80];
	v56 =	vand.u32 $0x7FFFFFFF, v54;
	v24 =	vmul.f32 v24, v48;
	v9 =	vmul.f32 v9, v45  }
0x14b: {  	v36 =	vld [tilespmem:s17+$0x170];
	v20 =	vmul.f32 v26, v20;
	v26 =	vand.u32 $0x7FFFFFFF, v52;
	v63 =	vsub.f32 $1.500000000e+00, v7  }
0x14c: {  	v61 =	vld [tilespmem:s17+$0x1F0];
	v58 =	vand.u32 $0x3E, v22;
	v60 =	vmul.f32 v29, v21;
	v29 =	vmul.f32 v14, v26  }
0x14d: {  	v48 =	vld [tilespmem:s17+$0x250];
	v7 =	vadd.s32 v1, v32;
	v55 =	vmul.f32 v34, v55;
	v35 =	vmul.f32 v63, v53  }
0x14e: {  	v45 =	vld [tilespmem:s17+$0x1D0];
	v53 =	vand.u32 $0x3D, v28;
	v63 =	vmul.f32 v23, v47;
	v28 =	vsub.f32 v3, v5  }
0x14f: {  	[tilespmem:v42+s12+$0x0] =	vst.idx.msk $0xffff, v17;
	v32 =	vld [tilespmem:s17+$0x190];
	v5 =	vand.u32 $0x7FFFFFFF, v5;
	v3 =	vand.u32 $0x7FFFFFFF, v3;
	v43 =	vmul.f32 v43, v13  }
0x150: {  	[tilespmem:v27+s12+$0x0] =	vst.idx.msk $0xffff, v16;
	v47 =	vld [tilespmem:s17+$0x1E0];
	v57 =	vmul.f32 v4, v5;
	v4 =	vand.u32 $0x7FFFFFFF, v30;
	v5 =	vand.u32 $0x7FFFFFFF, v25  }
0x151: {  	v23 =	vld [tilespmem:s17+$0x150];
	v14 =	vadd.s32 v1, v53;
	v16 =	vmul.f32 v24, v4;
	v4 =	vmul.f32 v20, v56  }
0x152: {  	[tilespmem:v38+s12+$0x0] =	vst.idx.msk $0xffff, v41;
	v13 =	vand.u32 $0x7FFFFFFF, v28;
	v28 =	vld [tilespmem:s17+$0x160];
	v25 =	vmul.f32 v35, v3;
	v59 =	vmul.f32 v63, v15  }
0x153: {  	v15 =	vadd.s32 v0, v53;
	v17 =	vmul.f32 v9, v5;
	v20 =	vmul.f32 v10, v44;
	v63 =	vld [tilespmem:$0x1FFC0];
	[tilespmem:$0x1FFA0] =	vst v4  }
0x154: {  	v10 =	vadd.s32 v1, v58;
	v24 =	vsub.f32 v48, v36;
	v18 =	vmul.f32 v18, v13;
	v35 =	vld [tilespmem:s17+$0x210]  }
0x155: {  	v13 =	vadd.s32 v2, v53;
	v30 =	vmul.f32 v12, v43;
	v12 =	vadd.s32 v0, v58;
	v37 =	vld [tilespmem:s17+$0x270];
	[tilespmem:$0x1FFB0] =	vst v58  }
0x156: {  	v34 =	vsub.f32 v62, v32;
	v21 =	vmul.f32 v25, v20;
	v25 =	vsub.f32 v47, v36;
	v39 =	vld [tilespmem:s17+$0x280]  }
0x157: {  	v22 =	vmul.f32 v57, v20;
	v27 =	vsub.f32 v40, v23;
	v36 =	vsub.f32 v61, v31;
	v41 =	vld [tilespmem:s17+$0x260]  }
0x158: {  	v38 =	vld [tilespmem:s17+$0x230];
	v9 =	vmul.f32 v63, v11;
	v11 =	vadd.s32 v2, v19;
	v19 =	vmul.f32 v18, v20  }
0x159: {  	s18 =	simm.s32 $0x8;
	s19 =	simm.s32 $0xC;
	v40 =	vld [tilespmem:s17+$0x240];
	v26 =	vsub.f32 v45, v28;
	v18 =	vmul.f32 v59, v30;
	v20 =	vmul.f32 v60, v30  }
.LBB2_3:
0x15a: {  	v42 =	vld [tilespmem:s17+$0xFFFFFD90]  }
0x15b: {  	v44 =	vld [tilespmem:s17+$0xFFFFFDA0]  }
0x15c: {  	v46 =	vld [tilespmem:s17+$0xFFFFFE00];
	v43 =	vmul.f32 v29, v30;
	v30 =	vmul.f32 v25, v25  }
0x15d: {  	v48 =	vld [tilespmem:s17+$0xFFFFFE10];
	v58 =	vmul.f32 v24, v24;
	v59 =	vmul.f32 v27, v27  }
0x15e: {  	v60 =	vld [tilespmem:s17+$0xFFFFFE20];
	v45 =	vmul.f32 v26, v26;
	v61 =	vsub.f32 v24, v25;
	v35 =	vsub.f32 v35, v33  }
0x15f: {  	v49 =	vld [tilespmem:s17+$0xFFFFFE70];
	v56 =	vmul.f32 v16, v55;
	v37 =	vsub.f32 v37, v32;
	v29 =	vsub.f32 v39, v33  }
0x160: {  	v51 =	vld [tilespmem:s17+$0xFFFFFE90];
	v57 =	vmul.f32 v17, v55;
	v31 =	vsub.f32 v41, v31;
	v41 =	vadd.f32 v45, v59  }
0x161: {  	v39 =	vld [tilespmem:s17+$0xFFFFFDB0];
	v38 =	vsub.f32 v38, v23;
	v23 =	vmul.f32 v29, v34;
	v47 =	vmul.f32 v37, v35  }
0x162: {  	v32 =	vsub.f32 v40, v28;
	v28 =	vmul.f32 v31, v35;
	v2 =	vadd.f32 v30, v41;
	v41 =	vld [tilespmem:s17+$0xFFFFFF50]  }
0x163: {  	v29 =	vmul.f32 v29, v36;
	v47 =	vsub.f32 v23, v47;
	v23 =	vmul.f32 v31, v34;
	v34 =	vld [tilespmem:s17+$0xFFFFFE80]  }
0x164: {  	v16 =	vsub.f32 v46, v42;
	v62 =	vmul.f32 v37, v36;
	[tilespmem:v8+s12+$0x0] =	vst.idx.msk $0xffff, v22;
	v8 =	vld [tilespmem:s17+$0xFFFFFFC0]  }
0x165: {  	v50 =	vsub.f32 v28, v29;
	v28 =	vsub.f32 v38, v27;
	[tilespmem:v7+s12+$0x0] =	vst.idx.msk $0xffff, v21;
	v21 =	vld [tilespmem:s17+$0xFFFFFFD0]  }
0x166: {  	v40 =	vmul.f32 v61, v61;
	v29 =	vsub.f32 v32, v26;
	v7 =	vsub.f32 v60, v39;
	v60 =	vld [tilespmem:s17+$0x1B0]  }
0x167: {  	v63 =	vmul.f32 v38, v38;
	v31 =	vmul.f32 v32, v32;
	v36 =	vsub.f32 v62, v23;
	v23 =	vld [tilespmem:s17+$0xFFFFFEE0]  }
0x168: {  	v39 =	vsub.f32 v51, v39;
	v0 =	vmul.f32 v28, v28;
	v54 =	vmul.f32 v29, v29;
	v28 =	vld [tilespmem:s17+$0xFFFFFEF0]  }
0x169: {  	v52 =	vmul.f32 v47, v47;
	v53 =	vmul.f32 v50, v50;
	v31 =	vadd.f32 v31, v63;
	v29 =	vld [tilespmem:s17+$0xFFFFFF00]  }
0x16a: {  	[tilespmem:v6+s12+$0x0] =	vst.idx.msk $0xffff, v19;
	v6 =	vld [tilespmem:s17+$0x220];
	v27 =	vmul.f32 v47, v27;
	v30 =	vadd.f32 v54, v0  }
0x16b: {  	v26 =	vmul.f32 v50, v26;
	v52 =	vadd.f32 v53, v52;
	v33 =	vadd.f32 v58, v31;
	v31 =	vld [tilespmem:s17+$0xFFFFFF60]  }
0x16c: {  	v1 =	vmul.f32 v36, v36;
	v25 =	vmul.f32 v36, v25;
	v40 =	vadd.f32 v40, v30;
	v30 =	vld [tilespmem:s17+$0xFFFFFF70]  }
0x16d: {  	v26 =	vadd.f32 v26, v27;
	[tilespmem:v15+s12+$0x0] =	vst.idx.msk $0xffff, v18;
	v15 =	vsub.f32 v34, v44;
	v34 =	vld [tilespmem:s17+$0x40]  }
0x16e: {  	v32 =	vmul.f32 v50, v32;
	v24 =	vmul.f32 v36, v24;
	v3 =	vadd.f32 v52, v1;
	v18 =	vld [tilespmem:s17+$0xFFFFFFE0]  }
0x16f: {  	v17 =	vmax.f32 v2, $1.000000020e-24;
	v25 =	vadd.f32 v26, v25;
	[tilespmem:v14+s12+$0x0] =	vst.idx.msk $0xffff, v20;
	v14 =	vsub.f32 v49, v42;
	v20 =	vld [tilespmem:s17+$0x30]  }
0x170: {  	v6 =	vmul.f32 v6, v60;
	v60 =	vld [tilespmem:s17+$0x290];
	v46 =	vsub.f32 v21, v28;
	v45 =	vmax.f32 v3, $1.000000020e-24  }
0x171: {  	v33 =	vmax.f32 v33, $1.000000020e-24;
	[tilespmem:v13+s12+$0x0] =	vst.idx.msk $0xffff, v43;
	v13 =	vsub.f32 v41, v23;
	v41 =	vld [tilespmem:s17+$0x50];
	v22 =	vmul.f32 v45, v17  }
0x172: {  	s20 =	sadd.s32 $0x3, s18;
	v58 =	vmax.f32 v40, $1.000000020e-24;
	v33 =	vmul.f32 v45, v33;
	v17 =	vsub.f32 v48, v44;
	v48 =	vld [tilespmem:s17+$0xA0];
	[tilespmem:v12+s12+$0x0] =	vst.idx.msk $0xffff, v56  }
0x173: {  	v59 =	vmul.f32 v45, v58;
	v31 =	vsub.f32 v31, v28;
	v12 =	vld [tilespmem:s17+$0xB0];
	[tilespmem:v10+s12+$0x0] =	vst.idx.msk $0xffff, v57;
	v57 =	vmov s20  }
0x174: {  	v50 =	vld [tilespmem:$0x1FFE0];
	v61 =	vshra.s32 v22, $0x1;
	v22 =	vmul.f32 $5.000000000e-01, v22;
	v62 =	vshra.s32 v33, $0x1  }
0x175: {  	v33 =	vmul.f32 $5.000000000e-01, v33;
	v63 =	vshra.s32 v59, $0x1;
	v35 =	vmul.f32 $5.000000000e-01, v59  }
0x176: {  	v10 =	vld [tilespmem:s17+$0xC0];
	[tilespmem:v11+s12+$0x0] =	vst.idx.msk $0xffff, v9;
	v11 =	vmul.f32 v47, v38;
	v59 =	vand.u32 $0x3F, v57;
	v30 =	vsub.f32 v30, v29  }
0x177: {  	v28 =	vmul.f32 v39, v17;
	v19 =	vsub.s32 $0x5F3759DF, v61;
	v45 =	vsub.s32 $0x5F3759DF, v62  }
0x178: {  	v5 =	vld [tilespmem:$0x1FFF0];
	v40 =	vsub.s32 $0x5F3759DF, v63;
	v6 =	vmul.f32 v60, v6;
	v0 =	vmul.f32 v19, v22  }
0x179: {  	v36 =	vld [tilespmem:s17+$0xFFFFFE40];
	v51 =	vadd.s32 v50, v59;
	v1 =	vmul.f32 v45, v33;
	v3 =	vmul.f32 v40, v35  }
0x17a: {  	v9 =	vld [tilespmem:s17+$0x110];
	v18 =	vsub.f32 v18, v29;
	v29 =	vmul.f32 v15, v7;
	v2 =	vmul.f32 v19, v0  }
0x17b: {  	v58 =	vld [tilespmem:s17+$0x120];
	v11 =	vadd.f32 v32, v11;
	v42 =	vmul.f32 v45, v1;
	v54 =	vmul.f32 v40, v3  }
0x17c: {  	v62 =	vld [tilespmem:s17+$0x130];
	v15 =	vmul.f32 v15, v16;
	v44 =	vsub.f32 v48, v20;
	v53 =	vsub.f32 $1.500000000e+00, v2  }
0x17d: {  	[tilespmem:$0x1FF40] =	vst v55;
	v63 =	vld [tilespmem:s17+$0xFFFFFD70];
	v60 =	vmul.f32 v18, v31;
	v42 =	vsub.f32 $1.500000000e+00, v42;
	v55 =	vsub.f32 $1.500000000e+00, v54  }
0x17e: {  	v21 =	vld [tilespmem:s17+$0x70];
	v29 =	vsub.f32 v28, v29;
	v11 =	vadd.f32 v11, v24;
	v19 =	vmul.f32 v19, v53  }
0x17f: {  	v0 =	vld [tilespmem:$0x1FFD0];
	v12 =	vsub.f32 v12, v34;
	v56 =	vmul.f32 v45, v42;
	v37 =	vmul.f32 v40, v55  }
0x180: {  	v1 =	vld [tilespmem:s17+$0xFFFFFD60];
	v10 =	vsub.f32 v10, v41;
	v43 =	vmul.f32 v29, v29;
	v22 =	vmul.f32 v19, v22  }
0x181: {  	v3 =	vld [tilespmem:s17+$0xFFFFFE60];
	v52 =	vsub.f32 v11, v25;
	v33 =	vmul.f32 v56, v33;
	v27 =	vmul.f32 v37, v35  }
0x182: {  	v25 =	vand.u32 $0x7FFFFFFF, v25;
	v11 =	vand.u32 $0x7FFFFFFF, v11;
	v53 =	vld [tilespmem:s17+$0xFFFFFEB0];
	v22 =	vmul.f32 v22, v19  }
0x183: {  	v58 =	vsub.f32 v58, v34;
	v49 =	vmul.f32 v33, v56;
	v26 =	vmul.f32 v27, v37;
	v27 =	vld [tilespmem:s17+$0xFFFFFDE0]  }
0x184: {  	v54 =	vadd.s32 v5, v59;
	v55 =	vld [tilespmem:s17+$0xFFFFFF20];
	v42 =	vsub.f32 v8, v23;
	v22 =	vsub.f32 $1.500000000e+00, v22  }
0x185: {  	v23 =	vld [tilespmem:s17+$0x0];
	v2 =	vmul.f32 v58, v10;
	v61 =	vadd.s32 v0, v59;
	v24 =	vsub.f32 $1.500000000e+00, v49  }
0x186: {  	v59 =	vmul.f32 v14, v7;
	v0 =	vld [tilespmem:s17+$0xF0];
	v19 =	vmul.f32 v22, v19;
	v22 =	vsub.f32 $1.500000000e+00, v26  }
0x187: {  	v9 =	vsub.f32 v9, v20;
	v14 =	vmul.f32 v14, v17;
	v49 =	vld [tilespmem:s17+$0xFFFFFD80];
	v24 =	vmul.f32 v24, v56  }
0x188: {  	v33 =	vld [tilespmem:s17+$0xFFFFFDD0];
	v7 =	vsub.f32 v27, v63;
	v19 =	vmul.f32 v19, v25;
	v22 =	vmul.f32 v22, v37  }
0x189: {  	v26 =	vld [tilespmem:s17+$0xFFFFFE50];
	v27 =	vmul.f32 v39, v16;
	v11 =	vmul.f32 v24, v11;
	v24 =	vand.u32 $0x7FFFFFFF, v52  }
0x18a: {  	v38 =	vsub.f32 v36, v1;
	v25 =	vld [tilespmem:s17+$0xFFFFFEC0];
	v19 =	vmul.f32 v19, v6;
	v22 =	vmul.f32 v22, v24  }
0x18b: {  	v37 =	vsub.f32 v15, v14;
	v28 =	vsub.f32 v59, v27;
	v24 =	vld [tilespmem:s17+$0xFFFFFF30];
	v8 =	vmul.f32 v11, v6  }
0x18c: {  	v27 =	vsub.f32 v3, v49;
	v11 =	vld [tilespmem:s17+$0xFFFFFF90];
	v6 =	vmul.f32 v22, v6;
	[tilespmem:v61+s12+$0x0] =	vst.idx.msk $0xffff, v19  }
0x18d: {  	v56 =	vld [tilespmem:s17+$0x10];
	v22 =	vsub.f32 v62, v41;
	v41 =	vsub.f32 v33, v1;
	[tilespmem:v51+s12+$0x0] =	vst.idx.msk $0xffff, v8  }
0x18e: {  	v50 =	vld [tilespmem:s17+$0xFFFFFDF0];
	[tilespmem:v54+s12+$0x0] =	vst.idx.msk $0xffff, v6;
	v6 =	vsub.f32 v26, v63;
	v26 =	vmul.f32 v46, v30  }
0x18f: {  	v19 =	vld [tilespmem:s17+$0xFFFFFFA0];
	v8 =	vsub.f32 v55, v53;
	v30 =	vmul.f32 v42, v30;
	v63 =	vmul.f32 v18, v13  }
0x190: {  	v61 =	vld [tilespmem:s17+$0x80];
	v45 =	vmul.f32 v22, v12;
	v46 =	vmul.f32 v46, v13;
	v18 =	vsub.f32 v24, v25  }
0x191: {  	v62 =	vld [tilespmem:s17+$0xE0];
	v20 =	vsub.f32 v11, v53;
	v11 =	vmul.f32 v22, v44;
	v22 =	vsub.f32 v21, v23  }
0x192: {  	v42 =	vmul.f32 v42, v31;
	v24 =	vsub.f32 v0, v56;
	v35 =	vsub.f32 v60, v26  }
0x193: {  	v10 =	vmul.f32 v9, v10;
	v34 =	vsub.f32 v30, v63;
	v33 =	vsub.f32 v45, v2  }
0x194: {  	v58 =	vmul.f32 v58, v44;
	v26 =	vsub.f32 v50, v49;
	v39 =	vsub.f32 v46, v42  }
0x195: {  	v54 =	vmul.f32 v41, v41;
	v19 =	vsub.f32 v19, v25;
	v21 =	vsub.f32 v61, v56  }
0x196: {  	v44 =	vmul.f32 v28, v28;
	v23 =	vsub.f32 v62, v23;
	v25 =	vsub.f32 v10, v11  }
0x197: {  	v57 =	vld [tilespmem:s17+$0xFFFFFED0];
	v10 =	vmul.f32 v9, v12;
	v9 =	vsub.f32 v38, v41;
	v56 =	vmul.f32 v7, v7  }
0x198: {  	v13 =	vld [tilespmem:s17+$0xFFFFFF40];
	v43 =	vadd.f32 v44, v43;
	v44 =	vmul.f32 v20, v20;
	v49 =	vmul.f32 v22, v22  }
0x199: {  	v31 =	vld [tilespmem:s17+$0xFFFFFFB0];
	v11 =	vsub.f32 v6, v7;
	v41 =	vmul.f32 v29, v41;
	v7 =	vmul.f32 v28, v7  }
0x19a: {  	v61 =	vsub.f32 v20, v8;
	v29 =	vmul.f32 v29, v38;
	v0 =	vmul.f32 v35, v35  }
0x19b: {  	v3 =	vmul.f32 v34, v34;
	v53 =	vsub.f32 v27, v26;
	v62 =	vsub.f32 v19, v18  }
0x19c: {  	v59 =	vld [tilespmem:s17+$0x20];
	v50 =	vmul.f32 v33, v33;
	v1 =	vsub.f32 v23, v22;
	v2 =	vsub.f32 v24, v21  }
0x19d: {  	v60 =	vld [tilespmem:s17+$0x90];
	v30 =	vsub.f32 v13, v57;
	v51 =	vmul.f32 v25, v25;
	v52 =	vmul.f32 v9, v9  }
0x19e: {  	v63 =	vld [tilespmem:s17+$0x100];
	v31 =	vsub.f32 v31, v57;
	v55 =	vmul.f32 v11, v11;
	v42 =	vmul.f32 v61, v61  }
0x19f: {  	v40 =	vsub.f32 v58, v10;
	v57 =	vmul.f32 v38, v38;
	v58 =	vmul.f32 v6, v6  }
0x1a0: {  	v61 =	vmul.f32 v18, v18;
	v6 =	vmul.f32 v28, v6;
	v28 =	vadd.f32 v7, v41  }
0x1a1: {  	v7 =	vmul.f32 v34, v18;
	v18 =	vmul.f32 v35, v20;
	v48 =	vadd.f32 v3, v0  }
0x1a2: {  	v0 =	vmul.f32 v21, v21;
	v53 =	vmul.f32 v53, v53;
	v32 =	vsub.f32 v60, v59  }
0x1a3: {  	v36 =	vsub.f32 v63, v59;
	v45 =	vmul.f32 v62, v62;
	v46 =	vmul.f32 v1, v1  }
0x1a4: {  	v47 =	vmul.f32 v2, v2;
	v59 =	vsub.f32 v31, v30;
	v60 =	vmul.f32 v8, v8  }
0x1a5: {  	v63 =	vmul.f32 v19, v19;
	v50 =	vadd.f32 v51, v50;
	v51 =	vmul.f32 v23, v23  }
0x1a6: {  	v1 =	vmul.f32 v24, v24;
	v2 =	vmul.f32 v37, v37;
	v52 =	vadd.f32 v55, v52  }
0x1a7: {  	v55 =	vmul.f32 v39, v39;
	v8 =	vmul.f32 v35, v8;
	v20 =	vadd.f32 v6, v29  }
0x1a8: {  	v6 =	vmul.f32 v34, v19;
	v0 =	vadd.f32 v0, v49;
	v62 =	vsub.f32 v36, v32  }
0x1a9: {  	v19 =	vmul.f32 v33, v22;
	v42 =	vadd.f32 v45, v42;
	v46 =	vadd.f32 v47, v46  }
0x1aa: {  	v45 =	vmul.f32 v40, v40;
	v47 =	vadd.f32 v56, v54;
	v54 =	vadd.f32 v58, v57  }
0x1ab: {  	v56 =	vadd.f32 v61, v60;
	v44 =	vadd.f32 v63, v44;
	v57 =	vmul.f32 v59, v59  }
0x1ac: {  	v1 =	vadd.f32 v1, v51;
	v63 =	vmul.f32 v26, v26;
	v60 =	vmul.f32 v27, v27  }
0x1ad: {  	v2 =	vadd.f32 v43, v2;
	v61 =	vmul.f32 v30, v30;
	v58 =	vmul.f32 v31, v31  }
0x1ae: {  	v22 =	vadd.f32 v7, v8;
	v7 =	vmul.f32 v25, v21;
	v8 =	vmul.f32 v33, v23  }
0x1af: {  	v18 =	vadd.f32 v6, v18;
	v6 =	vmul.f32 v25, v24;
	v26 =	vmul.f32 v37, v26  }
0x1b0: {  	v48 =	vadd.f32 v48, v55;
	v27 =	vmul.f32 v37, v27;
	v30 =	vmul.f32 v39, v30  }
0x1b1: {  	v17 =	vld [tilespmem:s17+$0xFFFFFE30];
	v52 =	vadd.f32 v53, v52;
	v31 =	vmul.f32 v39, v31;
	v49 =	vmul.f32 v62, v62  }
0x1b2: {  	v16 =	vld [tilespmem:s17+$0xFFFFFDC0];
	v45 =	vadd.f32 v50, v45;
	v50 =	vmul.f32 v32, v32;
	v62 =	vmul.f32 v36, v36  }
0x1b3: {  	v2 =	vmax.f32 v2, $1.000000020e-24;
	v42 =	vadd.f32 v57, v42;
	v43 =	vadd.f32 v63, v47  }
0x1b4: {  	v63 =	vmax.f32 v48, $1.000000020e-24;
	v57 =	vadd.f32 v60, v54;
	v60 =	vadd.f32 v61, v56  }
0x1b5: {  	v61 =	vmax.f32 v52, $1.000000020e-24;
	v44 =	vadd.f32 v58, v44;
	v19 =	vadd.f32 v7, v19  }
0x1b6: {  	v29 =	vadd.f32 v6, v8;
	v26 =	vadd.f32 v28, v26;
	v28 =	vmul.f32 v40, v32  }
0x1b7: {  	v22 =	vadd.f32 v22, v30;
	v30 =	vmul.f32 v17, v16;
	v46 =	vadd.f32 v49, v46  }
0x1b8: {  	v45 =	vmax.f32 v45, $1.000000020e-24;
	v0 =	vadd.f32 v50, v0;
	v42 =	vmax.f32 v42, $1.000000020e-24  }
0x1b9: {  	v1 =	vadd.f32 v62, v1;
	v43 =	vmax.f32 v43, $1.000000020e-24;
	v48 =	vmax.f32 v57, $1.000000020e-24  }
0x1ba: {  	v49 =	vmax.f32 v60, $1.000000020e-24;
	v43 =	vmul.f32 v2, v43;
	v48 =	vmul.f32 v2, v48  }
0x1bb: {  	v44 =	vmax.f32 v44, $1.000000020e-24;
	v2 =	vmul.f32 v2, v61;
	v49 =	vmul.f32 v63, v49  }
0x1bc: {  	v44 =	vmul.f32 v63, v44;
	v42 =	vmul.f32 v63, v42;
	v46 =	vmax.f32 v46, $1.000000020e-24  }
0x1bd: {  	v0 =	vmax.f32 v0, $1.000000020e-24;
	v1 =	vmax.f32 v1, $1.000000020e-24;
	v62 =	vshra.s32 v43, $0x1  }
0x1be: {  	v47 =	vshra.s32 v48, $0x1;
	v0 =	vmul.f32 v45, v0;
	v1 =	vmul.f32 v45, v1  }
0x1bf: {  	v43 =	vmul.f32 $5.000000000e-01, v43;
	v51 =	vshra.s32 v2, $0x1;
	v45 =	vmul.f32 v45, v46  }
0x1c0: {  	v46 =	vmul.f32 $5.000000000e-01, v48;
	v2 =	vmul.f32 $5.000000000e-01, v2;
	v48 =	vshra.s32 v49, $0x1  }
0x1c1: {  	v49 =	vmul.f32 $5.000000000e-01, v49;
	v52 =	vshra.s32 v44, $0x1;
	v44 =	vmul.f32 $5.000000000e-01, v44  }
0x1c2: {  	v63 =	vshra.s32 v42, $0x1;
	v42 =	vmul.f32 $5.000000000e-01, v42;
	v50 =	vsub.s32 $0x5F3759DF, v62  }
0x1c3: {  	v47 =	vsub.s32 $0x5F3759DF, v47;
	v51 =	vsub.s32 $0x5F3759DF, v51;
	v48 =	vsub.s32 $0x5F3759DF, v48  }
0x1c4: {  	v52 =	vsub.s32 $0x5F3759DF, v52;
	v53 =	vsub.s32 $0x5F3759DF, v63;
	v60 =	vshra.s32 v0, $0x1  }
0x1c5: {  	v0 =	vmul.f32 $5.000000000e-01, v0;
	v61 =	vshra.s32 v1, $0x1;
	v1 =	vmul.f32 $5.000000000e-01, v1  }
0x1c6: {  	v62 =	vshra.s32 v45, $0x1;
	v45 =	vmul.f32 $5.000000000e-01, v45;
	v57 =	vmul.f32 v50, v43  }
0x1c7: {  	v58 =	vmul.f32 v47, v46;
	v59 =	vmul.f32 v51, v2;
	v54 =	vsub.s32 $0x5F3759DF, v60  }
0x1c8: {  	v55 =	vsub.s32 $0x5F3759DF, v61;
	v60 =	vmul.f32 v48, v49;
	v61 =	vmul.f32 v52, v44  }
0x1c9: {  	v56 =	vsub.s32 $0x5F3759DF, v62;
	v62 =	vmul.f32 v53, v42;
	v63 =	vmul.f32 v54, v0  }
0x1ca: {  	v20 =	vadd.f32 v20, v27;
	v3 =	vmul.f32 v55, v1;
	v4 =	vmul.f32 v56, v45  }
0x1cb: {  	v18 =	vadd.f32 v18, v31;
	v57 =	vmul.f32 v50, v57;
	v58 =	vmul.f32 v47, v58  }
0x1cc: {  	v19 =	vadd.f32 v19, v28;
	v59 =	vmul.f32 v51, v59;
	v60 =	vmul.f32 v48, v60  }
0x1cd: {  	v31 =	vsub.f32 v18, v22;
	v61 =	vmul.f32 v52, v61;
	v62 =	vmul.f32 v53, v62  }
0x1ce: {  	v57 =	vsub.f32 $1.500000000e+00, v57;
	v58 =	vsub.f32 $1.500000000e+00, v58;
	v63 =	vmul.f32 v54, v63  }
0x1cf: {  	v3 =	vmul.f32 v55, v3;
	v59 =	vsub.f32 $1.500000000e+00, v59;
	v4 =	vmul.f32 v56, v4  }
0x1d0: {  	v60 =	vsub.f32 $1.500000000e+00, v60;
	v50 =	vmul.f32 v50, v57;
	v57 =	vsub.f32 $1.500000000e+00, v61  }
0x1d1: {  	v61 =	vsub.f32 $1.500000000e+00, v62;
	v47 =	vmul.f32 v47, v58;
	v63 =	vsub.f32 $1.500000000e+00, v63  }
0x1d2: {  	v3 =	vsub.f32 $1.500000000e+00, v3;
	v51 =	vmul.f32 v51, v59;
	v48 =	vmul.f32 v48, v60  }
0x1d3: {  	v12 =	vld [tilespmem:s17+$0xFFFFFF10];
	v4 =	vsub.f32 $1.500000000e+00, v4;
	v60 =	vmul.f32 v40, v36;
	v52 =	vmul.f32 v52, v57  }
0x1d4: {  	v13 =	vld [tilespmem:s17+$0xFFFFFF80];
	v18 =	vand.u32 $0x7FFFFFFF, v18;
	v53 =	vmul.f32 v53, v61;
	v54 =	vmul.f32 v54, v63  }
0x1d5: {  	s30 =	sadd.s32 $0x1, s18;
	s31 =	sadd.s32 $0x2, s18;
	v61 =	vmov s18;
	v3 =	vmul.f32 v55, v3;
	v4 =	vmul.f32 v56, v4  }
0x1d6: {  	v63 =	vmov s30;
	v56 =	vmov s31;
	v21 =	vmul.f32 v50, v43  }
0x1d7: {  	v41 =	vld [tilespmem:$0x1FFD0];
	v23 =	vmul.f32 v47, v46;
	v2 =	vmul.f32 v51, v2;
	v62 =	vand.u32 $0x3C, v61  }
0x1d8: {  	v14 =	vld [tilespmem:s17+$0x60];
	v24 =	vmul.f32 v48, v49;
	v59 =	vand.u32 $0x3D, v63;
	v29 =	vadd.f32 v29, v60  }
0x1d9: {  	v15 =	vld [tilespmem:s17+$0xD0];
	v63 =	vmul.f32 v13, v12;
	v12 =	vand.u32 $0x7FFFFFFF, v31;
	v25 =	vmul.f32 v52, v44  }
0x1da: {  	v9 =	vld [tilespmem:s17+$0xFFFFFEA0];
	v13 =	vand.u32 $0x7FFFFFFF, v26;
	v57 =	vmul.f32 v53, v42;
	v0 =	vmul.f32 v54, v0  }
0x1db: {  	v10 =	vld [tilespmem:s17+$0xFFFFFFF0];
	v49 =	vand.u32 $0x3E, v56;
	v1 =	vmul.f32 v3, v1;
	v58 =	vmul.f32 v4, v45  }
0x1dc: {  	v46 =	vld [tilespmem:$0x1FFE0];
	v8 =	vadd.s32 v41, v62;
	v21 =	vmul.f32 v21, v50;
	v23 =	vmul.f32 v23, v47  }
0x1dd: {  	v11 =	vld [tilespmem:s17+$0x140];
	s17 =	sadd.s32 $0x540, s17;
	v6 =	vadd.s32 v5, v62;
	v2 =	vmul.f32 v2, v51;
	v24 =	vmul.f32 v24, v48  }
0x1de: {  	v38 =	vld [tilespmem:s17+$0x230];
	v32 =	vsub.f32 v29, v19;
	v25 =	vmul.f32 v25, v52;
	v27 =	vmul.f32 v57, v53  }
0x1df: {  	v34 =	vld [tilespmem:s17+$0x1E0];
	v0 =	vmul.f32 v0, v54;
	v1 =	vmul.f32 v1, v3;
	v21 =	vsub.f32 $1.500000000e+00, v21  }
0x1e0: {  	v35 =	vld [tilespmem:s17+$0x210];
	v28 =	vmul.f32 v58, v4;
	v16 =	vsub.f32 $1.500000000e+00, v23;
	v2 =	vsub.f32 $1.500000000e+00, v2  }
0x1e1: {  	v36 =	vld [tilespmem:s17+$0x250];
	v7 =	vadd.s32 v46, v62;
	v17 =	vmul.f32 v21, v50;
	v21 =	vsub.f32 $1.500000000e+00, v24  }
0x1e2: {  	v40 =	vld [tilespmem:s17+$0x1C0];
	v23 =	vsub.f32 $1.500000000e+00, v25;
	v16 =	vmul.f32 v16, v47;
	v24 =	vsub.f32 $1.500000000e+00, v27  }
0x1e3: {  	v31 =	vld [tilespmem:s17+$0x180];
	v0 =	vsub.f32 $1.500000000e+00, v0;
	v2 =	vmul.f32 v2, v51;
	v1 =	vsub.f32 $1.500000000e+00, v1  }
0x1e4: {  	v60 =	vld [tilespmem:$0x1FFA0];
	v25 =	vsub.f32 $1.500000000e+00, v28;
	v28 =	vsub.f32 v20, v26;
	v21 =	vmul.f32 v21, v48  }
0x1e5: {  	v57 =	vld [tilespmem:s17+$0x1F0];
	v26 =	vand.u32 $0x7FFFFFFF, v32;
	v61 =	vmul.f32 v23, v52;
	v24 =	vmul.f32 v24, v53  }
0x1e6: {  	v58 =	vld [tilespmem:s17+$0x200];
	v62 =	vand.u32 $0x7FFFFFFF, v28;
	v0 =	vmul.f32 v0, v54;
	v1 =	vmul.f32 v1, v3  }
0x1e7: {  	v27 =	vld [tilespmem:s17+$0x170];
	v4 =	vmul.f32 v25, v4;
	v25 =	vmul.f32 v15, v14;
	v14 =	vand.u32 $0x7FFFFFFF, v20  }
0x1e8: {  	v32 =	vld [tilespmem:s17+$0x190];
	v15 =	vand.u32 $0x7FFFFFFF, v22;
	v20 =	vmul.f32 v17, v13;
	v13 =	vand.u32 $0x7FFFFFFF, v19  }
0x1e9: {  	v23 =	vld [tilespmem:s17+$0x150];
	v17 =	vand.u32 $0x7FFFFFFF, v29;
	v19 =	vmul.f32 v16, v14;
	v2 =	vmul.f32 v2, v62  }
0x1ea: {  	v28 =	vld [tilespmem:s17+$0x160];
	v14 =	vadd.s32 v46, v59;
	v50 =	vmul.f32 v21, v15;
	v51 =	vmul.f32 v61, v18  }
0x1eb: {  	v48 =	vld [tilespmem:s17+$0x1D0];
	v15 =	vadd.s32 v41, v59;
	v29 =	vmul.f32 v24, v12;
	v16 =	vmul.f32 v0, v13  }
0x1ec: {  	v62 =	vld [tilespmem:$0x1FFB0];
	v13 =	vadd.s32 v5, v59;
	v17 =	vmul.f32 v1, v17;
	v59 =	vmul.f32 v4, v26  }
0x1ed: {  	p0 =	slt.u32 s19, $0x24;
	v4 =	vmul.f32 v9, v30;
	v30 =	vmul.f32 v10, v63;
	v12 =	vadd.s32 v41, v49;
	v9 =	vld [tilespmem:$0x1FF40]  }
.Ltmp0:
0x1ee: {  	v33 =	vld [tilespmem:s17+$0x1A0];
	v10 =	vadd.s32 v46, v49;
	v55 =	vmul.f32 v11, v25;
	v25 =	vsub.f32 v34, v27;
	(pc) =	sbr.rel @p0 .LBB2_3-.Ltmp0, $4  }
0x1ef: {  	v37 =	vld [tilespmem:s17+$0x270];
	v63 =	vmovc v49;
	v24 =	vsub.f32 v36, v27;
	v36 =	vsub.f32 v57, v31;
	v22 =	vmul.f32 v20, v4  }
0x1f0: {  	v39 =	vld [tilespmem:s17+$0x280];
	[tilespmem:$0x1FFB0] =	vst v63;
	v34 =	vsub.f32 v58, v32;
	v21 =	vmul.f32 v19, v4;
	v19 =	vmul.f32 v2, v4  }
0x1f1: {  	v41 =	vld [tilespmem:s17+$0x260];
	v61 =	vmovc v59;
	v18 =	vmul.f32 v50, v30;
	v20 =	vmul.f32 v51, v30;
	v27 =	vsub.f32 v40, v23  }
0x1f2: {  	s18 =	smov.u32 s19;
	s19 =	sadd.s32 $0x4, s19;
	[tilespmem:$0x1FFA0] =	vst v61;
	v26 =	vsub.f32 v48, v28;
	v40 =	vld [tilespmem:s17+$0x240];
	v11 =	vadd.s32 v5, v62;
	v9 =	vmul.f32 v60, v9  }
0x1f3: {  	v0 =	vld [tilespmem:s17+$0xFFFFFD90]  }
0x1f4: {  	v1 =	vld [tilespmem:s17+$0xFFFFFDA0];
	v2 =	vsub.f32 v35, v33  }
0x1f5: {  	v3 =	vld [tilespmem:s17+$0xFFFFFDB0];
	v4 =	vsub.f32 v37, v32;
	v62 =	vsub.f32 v39, v33  }
0x1f6: {  	v63 =	vmul.f32 v25, v25;
	v35 =	vld [tilespmem:s17+$0xFFFFFE00];
	v52 =	vmul.f32 v27, v27;
	v31 =	vsub.f32 v41, v31  }
0x1f7: {  	v44 =	vld [tilespmem:s17+$0xFFFFFE20];
	v38 =	vsub.f32 v38, v23;
	v43 =	vmul.f32 v4, v2;
	v42 =	vmul.f32 v62, v34  }
0x1f8: {  	v56 =	vsub.f32 v24, v25;
	v46 =	vld [tilespmem:s17+$0xFFFFFEE0];
	v54 =	vmul.f32 v62, v36;
	v2 =	vmul.f32 v31, v2  }
0x1f9: {  	v48 =	vld [tilespmem:s17+$0xFFFFFEF0];
	v53 =	vmul.f32 v26, v26;
	v4 =	vmul.f32 v4, v36;
	v28 =	vsub.f32 v40, v28  }
0x1fa: {  	v50 =	vld [tilespmem:s17+$0xFFFFFF50];
	v57 =	vmul.f32 v31, v34;
	v42 =	vsub.f32 v42, v43;
	v2 =	vsub.f32 v2, v54  }
0x1fb: {  	v32 =	vld [tilespmem:s17+$0xFFFFFE70];
	v58 =	vmul.f32 v38, v38;
	v59 =	vsub.f32 v38, v27;
	v45 =	vsub.f32 v28, v26  }
0x1fc: {  	v41 =	vld [tilespmem:s17+$0xFFFFFE10];
	v4 =	vsub.f32 v4, v57;
	v60 =	vmul.f32 v42, v42;
	v47 =	vmul.f32 v2, v2  }
0x1fd: {  	v37 =	vadd.f32 v53, v52;
	v52 =	vld [tilespmem:s17+$0xFFFFFFE0];
	v61 =	vmul.f32 v59, v59;
	v49 =	vmul.f32 v28, v28  }
0x1fe: {  	v36 =	vld [tilespmem:s17+$0xFFFFFE80];
	v45 =	vmul.f32 v45, v45;
	v62 =	vmul.f32 v4, v4;
	v23 =	vadd.f32 v47, v60  }
0x1ff: {  	v51 =	vmul.f32 v24, v24;
	v31 =	vld [tilespmem:s17+$0xFFFFFE90];
	v33 =	vadd.f32 v63, v37;
	v34 =	vadd.f32 v49, v58  }
0x200: {  	v40 =	vmul.f32 v56, v56;
	v37 =	vld [tilespmem:s17+$0xFFFFFF60];
	v39 =	vadd.f32 v45, v61;
	v23 =	vadd.f32 v23, v62  }
0x201: {  	v5 =	vmul.f32 v29, v30;
	v43 =	vld [tilespmem:s17+$0xFFFFFF00];
	v33 =	vmax.f32 v33, $1.000000020e-24  }
0x202: {  	v54 =	vld [tilespmem:s17+$0x30];
	v34 =	vadd.f32 v51, v34;
	v39 =	vadd.f32 v40, v39;
	v23 =	vmax.f32 v23, $1.000000020e-24  }
0x203: {  	v35 =	vsub.f32 v35, v0;
	v44 =	vsub.f32 v44, v3;
	v49 =	vld [tilespmem:s17+$0x1B0];
	v33 =	vmul.f32 v23, v33  }
0x204: {  	v0 =	vsub.f32 v32, v0;
	v45 =	vld [tilespmem:s17+$0xFFFFFF70];
	v34 =	vmax.f32 v34, $1.000000020e-24;
	v39 =	vmax.f32 v39, $1.000000020e-24  }
0x205: {  	v51 =	vld [tilespmem:s17+$0x220];
	v34 =	vmul.f32 v23, v34;
	v63 =	vshra.s32 v33, $0x1;
	v33 =	vmul.f32 $5.000000000e-01, v33  }
0x206: {  	v38 =	vmul.f32 v42, v38;
	v47 =	vld [tilespmem:s17+$0xFFFFFFC0];
	v23 =	vmul.f32 v23, v39;
	v39 =	vsub.s32 $0x5F3759DF, v63  }
0x207: {  	v40 =	vld [tilespmem:s17+$0xFFFFFFD0];
	[tilespmem:$0x1FF40] =	vst v55;
	v53 =	vshra.s32 v34, $0x1;
	v34 =	vmul.f32 $5.000000000e-01, v34;
	v55 =	vmul.f32 v39, v33  }
0x208: {  	v57 =	vshra.s32 v23, $0x1;
	v58 =	vmul.f32 $5.000000000e-01, v23;
	v53 =	vsub.s32 $0x5F3759DF, v53  }
0x209: {  	v56 =	vld [tilespmem:s17+$0x40];
	v29 =	vsub.s32 $0x5F3759DF, v57;
	v59 =	vmul.f32 v53, v34;
	v23 =	vmul.f32 v39, v55  }
0x20a: {  	v41 =	vsub.f32 v41, v1;
	v25 =	vmul.f32 v4, v25;
	v60 =	vld [tilespmem:s17+$0x50];
	[tilespmem:$0x1FF00] =	vst v5;
	v57 =	vmul.f32 v29, v58  }
0x20b: {  	v1 =	vsub.f32 v36, v1;
	v61 =	vld [tilespmem:s17+$0xB0];
	v59 =	vmul.f32 v53, v59;
	v30 =	vsub.f32 $1.500000000e+00, v23  }
0x20c: {  	v4 =	vmul.f32 v4, v24;
	v3 =	vsub.f32 v31, v3;
	v36 =	vld [tilespmem:s17+$0xFFFFFD70];
	v62 =	vmul.f32 v29, v57  }
0x20d: {  	v31 =	vld [tilespmem:s17+$0xFFFFFE50];
	v32 =	vmul.f32 v51, v49;
	v5 =	vsub.f32 $1.500000000e+00, v59;
	v30 =	vmul.f32 v39, v30  }
0x20e: {  	v49 =	vld [tilespmem:s17+$0xC0];
	v63 =	vmul.f32 v42, v27;
	v23 =	vmul.f32 v2, v26;
	v51 =	vsub.f32 $1.500000000e+00, v62  }
0x20f: {  	v50 =	vsub.f32 v50, v46;
	v42 =	vld [tilespmem:s17+$0x130];
	v53 =	vmul.f32 v53, v5;
	v33 =	vmul.f32 v30, v33  }
0x210: {  	v24 =	vsub.f32 v45, v43;
	v55 =	vld [tilespmem:s17+$0xA0];
	v2 =	vmul.f32 v2, v28;
	v29 =	vmul.f32 v29, v51  }
0x211: {  	v43 =	vsub.f32 v52, v43;
	v57 =	vld [tilespmem:s17+$0x290];
	v34 =	vmul.f32 v53, v34;
	v62 =	vmul.f32 v33, v30  }
0x212: {  	v52 =	vmul.f32 v3, v41;
	v59 =	vld [tilespmem:s17+$0x110];
	v26 =	vadd.f32 v23, v63;
	v63 =	vmul.f32 v29, v58  }
0x213: {  	v39 =	vld [tilespmem:s17+$0x120];
	v2 =	vadd.f32 v2, v38;
	v23 =	vmul.f32 v34, v53;
	v34 =	vsub.f32 $1.500000000e+00, v62  }
0x214: {  	v3 =	vmul.f32 v3, v35;
	v51 =	vld [tilespmem:s17+$0xFFFFFDD0];
	v25 =	vadd.f32 v26, v25;
	v27 =	vmul.f32 v63, v29  }
0x215: {  	v58 =	vld [tilespmem:s17+$0xFFFFFE40];
	v2 =	vadd.f32 v2, v4;
	v38 =	vsub.f32 $1.500000000e+00, v23;
	v62 =	vmul.f32 v34, v30  }
0x216: {  	v26 =	vmul.f32 v57, v32;
	v32 =	vld [tilespmem:s17+$0xFFFFFEC0];
	v5 =	vand.u32 $0x7FFFFFFF, v25;
	v63 =	vsub.f32 $1.500000000e+00, v27  }
0x217: {  	v40 =	vsub.f32 v40, v48;
	v33 =	vld [tilespmem:s17+$0xFFFFFDE0];
	v28 =	vmul.f32 v38, v53;
	v4 =	vmul.f32 v62, v5  }
0x218: {  	v25 =	vsub.f32 v2, v25;
	v2 =	vand.u32 $0x7FFFFFFF, v2;
	v30 =	vld [tilespmem:s17+$0xFFFFFEB0];
	v23 =	vmul.f32 v63, v29  }
0x219: {  	v42 =	vsub.f32 v42, v60;
	v38 =	vld [tilespmem:s17+$0xFFFFFF30];
	v2 =	vmul.f32 v28, v2;
	v4 =	vmul.f32 v4, v26  }
0x21a: {  	v39 =	vsub.f32 v39, v56;
	v25 =	vand.u32 $0x7FFFFFFF, v25;
	v34 =	vld [tilespmem:s17+$0xFFFFFF20];
	v53 =	vsub.f32 v37, v48  }
0x21b: {  	v48 =	vsub.f32 v49, v60;
	v28 =	vld [tilespmem:s17+$0xFFFFFF90];
	v57 =	vmul.f32 v23, v25;
	v2 =	vmul.f32 v2, v26;
	[tilespmem:$0x1FF10] =	vst v4  }
0x21c: {  	v5 =	vsub.f32 v33, v36;
	v60 =	vmul.f32 v43, v53;
	v23 =	vsub.f32 v31, v36;
	v45 =	vld [tilespmem:s17+$0xFFFFFFA0]  }
0x21d: {  	v62 =	vmul.f32 v40, v24;
	v43 =	vmul.f32 v43, v50;
	v4 =	vsub.f32 v47, v46;
	v47 =	vld [tilespmem:s17+$0x0];
	[tilespmem:$0x1FF20] =	vst v2  }
0x21e: {  	v31 =	vmul.f32 v39, v48;
	v27 =	vsub.f32 v38, v32;
	v46 =	vsub.f32 v55, v54;
	v49 =	vld [tilespmem:s17+$0x10]  }
0x21f: {  	v40 =	vmul.f32 v40, v50;
	v54 =	vsub.f32 v59, v54;
	v2 =	vsub.f32 v61, v56;
	v55 =	vld [tilespmem:s17+$0x70]  }
0x220: {  	v56 =	vmul.f32 v1, v44;
	v44 =	vmul.f32 v0, v44;
	v25 =	vsub.f32 v28, v30;
	v59 =	vld [tilespmem:s17+$0x80]  }
0x221: {  	v61 =	vld [tilespmem:s17+$0xE0];
	v63 =	vmul.f32 v4, v24;
	v24 =	vsub.f32 v34, v30;
	v48 =	vmul.f32 v54, v48  }
0x222: {  	v33 =	vld [tilespmem:s17+$0xFFFFFD60];
	v53 =	vmul.f32 v4, v53;
	v34 =	vmul.f32 v42, v2;
	v37 =	vsub.f32 v52, v56  }
0x223: {  	v36 =	vld [tilespmem:s17+$0xF0];
	v38 =	vsub.f32 v44, v3;
	v2 =	vmul.f32 v54, v2;
	v54 =	vsub.f32 v23, v5  }
0x224: {  	v1 =	vmul.f32 v1, v35;
	v52 =	vld [tilespmem:s17+$0xFFFFFDF0];
	v43 =	vsub.f32 v63, v43;
	v53 =	vsub.f32 v40, v53  }
0x225: {  	v0 =	vmul.f32 v0, v41;
	v3 =	vld [tilespmem:s17+$0xFFFFFED0];
	v31 =	vsub.f32 v34, v31;
	v32 =	vsub.f32 v45, v32  }
0x226: {  	v34 =	vmul.f32 v39, v46;
	v45 =	vld [tilespmem:s17+$0xFFFFFD80];
	v56 =	vsub.f32 v55, v47;
	v55 =	vsub.f32 v61, v47  }
0x227: {  	v54 =	vmul.f32 v54, v54;
	v47 =	vld [tilespmem:s17+$0xFFFFFE60];
	v59 =	vsub.f32 v59, v49;
	v41 =	vsub.f32 v51, v33  }
0x228: {  	v61 =	vmul.f32 v42, v46;
	v51 =	vld [tilespmem:s17+$0xFFFFFF40];
	v42 =	vsub.f32 v60, v62;
	v60 =	vsub.f32 v25, v24  }
0x229: {  	v36 =	vsub.f32 v36, v49;
	v44 =	vsub.f32 v58, v33;
	v33 =	vld [tilespmem:s17+$0xFFFFFFB0];
	v62 =	vmul.f32 v37, v37  }
0x22a: {  	v58 =	vld [tilespmem:s17+$0x20];
	v46 =	vmul.f32 v38, v38;
	v63 =	vsub.f32 v32, v27;
	v60 =	vmul.f32 v60, v60  }
0x22b: {  	v39 =	vsub.f32 v48, v61;
	v48 =	vld [tilespmem:s17+$0x90];
	[tilespmem:$0x1FEC0] =	vst v5;
	v61 =	vmul.f32 v31, v31;
	v5 =	vmul.f32 v5, v5  }
0x22c: {  	v35 =	vsub.f32 v44, v41;
	[tilespmem:$0x1FED0] =	vst v23;
	v23 =	vmul.f32 v23, v23;
	v40 =	vmul.f32 v63, v63  }
0x22d: {  	v49 =	vsub.f32 v52, v45;
	v52 =	vsub.f32 v1, v0;
	v1 =	vmul.f32 v43, v43  }
0x22e: {  	v35 =	vmul.f32 v35, v35;
	v28 =	vmul.f32 v39, v39;
	v50 =	vsub.f32 v47, v45  }
0x22f: {  	[tilespmem:$0x1FEE0] =	vst v24;
	v0 =	vmul.f32 v36, v36;
	v45 =	vsub.f32 v51, v3;
	v30 =	vsub.f32 v33, v3  }
0x230: {  	v4 =	vld [tilespmem:s17+$0x100];
	v47 =	vmul.f32 v42, v42;
	v33 =	vsub.f32 v55, v56;
	v51 =	vsub.f32 v34, v2  }
0x231: {  	v40 =	vadd.f32 v40, v60;
	v60 =	vmul.f32 v24, v24;
	v24 =	vmul.f32 v27, v27  }
0x232: {  	[tilespmem:$0x1FEF0] =	vst v27;
	v34 =	vadd.f32 v46, v62;
	v27 =	vmul.f32 v32, v32;
	v3 =	vmul.f32 v57, v26  }
0x233: {  	v32 =	vmul.f32 v43, v32;
	v35 =	vadd.f32 v54, v35;
	v26 =	vmul.f32 v52, v52  }
0x234: {  	v29 =	vsub.f32 v48, v58;
	v2 =	vmul.f32 v33, v33;
	v1 =	vadd.f32 v1, v47  }
0x235: {  	v47 =	vmul.f32 v25, v25;
	v48 =	vsub.f32 v4, v58;
	v4 =	vsub.f32 v36, v59  }
0x236: {  	v58 =	vadd.f32 v28, v61;
	v28 =	vmul.f32 v44, v44;
	v34 =	vadd.f32 v34, v26  }
0x237: {  	v26 =	vmul.f32 v50, v50;
	v36 =	vmul.f32 v39, v36;
	v47 =	vadd.f32 v27, v47  }
0x238: {  	v27 =	vsub.f32 v30, v45;
	v63 =	vmul.f32 v29, v29;
	v33 =	vmul.f32 v4, v4  }
0x239: {  	v4 =	vmul.f32 v41, v41;
	v54 =	vadd.f32 v23, v28;
	v28 =	vmul.f32 v56, v56  }
0x23a: {  	v23 =	vmul.f32 v59, v59;
	v34 =	vmax.f32 v34, $1.000000020e-24;
	v2 =	vadd.f32 v33, v2  }
0x23b: {  	v46 =	vadd.f32 v5, v4;
	v33 =	vadd.f32 v24, v60;
	v24 =	vmul.f32 v55, v55  }
0x23c: {  	v5 =	vmovc v25;
	v57 =	vadd.f32 v23, v28;
	v25 =	vsub.f32 v50, v49;
	v28 =	vmul.f32 v53, v53  }
0x23d: {  	v4 =	vsub.f32 v48, v29;
	v23 =	vmul.f32 v27, v27;
	v27 =	vmul.f32 v45, v45  }
0x23e: {  	v54 =	vadd.f32 v26, v54;
	v45 =	vmul.f32 v53, v45;
	v29 =	vmul.f32 v51, v29  }
0x23f: {  	[tilespmem:$0x1FF30] =	vst v3;
	v3 =	vadd.f32 v0, v24;
	v0 =	vmul.f32 v51, v51;
	v60 =	vmul.f32 v25, v25  }
0x240: {  	v1 =	vadd.f32 v1, v28;
	v24 =	vmul.f32 v4, v4;
	v25 =	vmul.f32 v49, v49  }
0x241: {  	v40 =	vadd.f32 v23, v40;
	v28 =	vmul.f32 v30, v30;
	v33 =	vadd.f32 v27, v33  }
0x242: {  	v57 =	vadd.f32 v63, v57;
	v54 =	vmax.f32 v54, $1.000000020e-24;
	v0 =	vadd.f32 v58, v0  }
0x243: {  	v30 =	vmul.f32 v53, v30;
	v35 =	vadd.f32 v60, v35;
	v46 =	vadd.f32 v25, v46  }
0x244: {  	v54 =	vmul.f32 v34, v54;
	v2 =	vadd.f32 v24, v2;
	v47 =	vadd.f32 v28, v47  }
0x245: {  	v1 =	vmax.f32 v1, $1.000000020e-24;
	v40 =	vmax.f32 v40, $1.000000020e-24;
	v33 =	vmax.f32 v33, $1.000000020e-24  }
0x246: {  	v25 =	vmul.f32 v48, v48;
	v57 =	vmax.f32 v57, $1.000000020e-24;
	v33 =	vmul.f32 v1, v33  }
0x247: {  	v23 =	vshra.s32 v54, $0x1;
	v54 =	vmul.f32 $5.000000000e-01, v54;
	v35 =	vmax.f32 v35, $1.000000020e-24  }
0x248: {  	v46 =	vmax.f32 v46, $1.000000020e-24;
	v47 =	vmax.f32 v47, $1.000000020e-24;
	v3 =	vadd.f32 v25, v3  }
0x249: {  	v0 =	vmax.f32 v0, $1.000000020e-24;
	v46 =	vmul.f32 v34, v46;
	v34 =	vmul.f32 v34, v35  }
0x24a: {  	v47 =	vmul.f32 v1, v47;
	v1 =	vmul.f32 v1, v40;
	v40 =	vsub.s32 $0x5F3759DF, v23  }
0x24b: {  	v2 =	vmax.f32 v2, $1.000000020e-24;
	v57 =	vmul.f32 v0, v57;
	v27 =	vmul.f32 v40, v54  }
0x24c: {  	v3 =	vmax.f32 v3, $1.000000020e-24;
	v4 =	vshra.s32 v46, $0x1;
	v46 =	vmul.f32 $5.000000000e-01, v46  }
0x24d: {  	v24 =	vshra.s32 v34, $0x1;
	v34 =	vmul.f32 $5.000000000e-01, v34;
	v35 =	vsub.s32 $0x5F3759DF, v4  }
0x24e: {  	v3 =	vmul.f32 v0, v3;
	v58 =	vsub.s32 $0x5F3759DF, v24;
	v26 =	vmul.f32 v35, v46  }
0x24f: {  	v0 =	vmul.f32 v0, v2;
	v28 =	vmul.f32 v58, v34  }
0x250: {  	v60 =	vmul.f32 v40, v27;
	v4 =	vshra.s32 v47, $0x1;
	v61 =	vmul.f32 v35, v26  }
0x251: {  	v47 =	vmul.f32 $5.000000000e-01, v47;
	v23 =	vshra.s32 v3, $0x1;
	v62 =	vmul.f32 v58, v28  }
0x252: {  	v27 =	vmul.f32 $5.000000000e-01, v0;
	v60 =	vsub.f32 $1.500000000e+00, v60;
	v61 =	vsub.f32 $1.500000000e+00, v61  }
0x253: {  	v28 =	vmul.f32 $5.000000000e-01, v3;
	v3 =	vshra.s32 v0, $0x1;
	v62 =	vsub.f32 $1.500000000e+00, v62  }
0x254: {  	v26 =	vmul.f32 $5.000000000e-01, v1;
	v3 =	vsub.s32 $0x5F3759DF, v3;
	v25 =	vmul.f32 v35, v61  }
0x255: {  	v35 =	vmul.f32 v40, v60;
	v40 =	vmul.f32 v58, v62;
	v58 =	vshra.s32 v33, $0x1  }
0x256: {  	v33 =	vmul.f32 $5.000000000e-01, v33;
	v61 =	vshra.s32 v1, $0x1;
	v62 =	vshra.s32 v57, $0x1  }
0x257: {  	v57 =	vmul.f32 $5.000000000e-01, v57;
	v60 =	vsub.s32 $0x5F3759DF, v4;
	v4 =	vmul.f32 v3, v27  }
0x258: {  	v58 =	vsub.s32 $0x5F3759DF, v58;
	v2 =	vmul.f32 v60, v47;
	v61 =	vsub.s32 $0x5F3759DF, v61  }
0x259: {  	v1 =	vmul.f32 v58, v33;
	v0 =	vmul.f32 v61, v26  }
0x25a: {  	v4 =	vmul.f32 v3, v4;
	v46 =	vmul.f32 v25, v46  }
0x25b: {  	v63 =	vsub.s32 $0x5F3759DF, v23;
	v34 =	vmul.f32 v40, v34;
	v24 =	vmul.f32 v60, v2  }
0x25c: {  	v62 =	vsub.s32 $0x5F3759DF, v62;
	v2 =	vmul.f32 v63, v28;
	v23 =	vmul.f32 v58, v1  }
0x25d: {  	v1 =	vmul.f32 v62, v57;
	v0 =	vmul.f32 v61, v0;
	v4 =	vsub.f32 $1.500000000e+00, v4  }
0x25e: {  	v34 =	vmul.f32 v34, v40;
	v2 =	vmul.f32 v63, v2;
	v24 =	vsub.f32 $1.500000000e+00, v24  }
0x25f: {  	v1 =	vmul.f32 v62, v1;
	v0 =	vsub.f32 $1.500000000e+00, v0;
	v3 =	vmul.f32 v3, v4  }
0x260: {  	v23 =	vsub.f32 $1.500000000e+00, v23;
	v4 =	vmul.f32 v37, v41;
	v37 =	vmul.f32 v37, v44  }
0x261: {  	v34 =	vsub.f32 $1.500000000e+00, v34;
	v2 =	vsub.f32 $1.500000000e+00, v2;
	v0 =	vmul.f32 v61, v0;
	v61 =	vld [tilespmem:$0x1FEC0]  }
0x262: {  	v24 =	vmul.f32 v60, v24;
	v23 =	vmul.f32 v58, v23;
	v58 =	vld [tilespmem:$0x1FEF0]  }
0x263: {  	v1 =	vsub.f32 $1.500000000e+00, v1;
	v34 =	vmul.f32 v34, v40;
	v2 =	vmul.f32 v63, v2  }
0x264: {  	v33 =	vmul.f32 v23, v33;
	v26 =	vmul.f32 v0, v26  }
0x265: {  	v63 =	vld [tilespmem:$0x1FEE0];
	v1 =	vmul.f32 v62, v1;
	v28 =	vmul.f32 v2, v28  }
0x266: {  	v33 =	vmul.f32 v33, v23;
	v26 =	vmul.f32 v26, v0  }
0x267: {  	v62 =	vld [tilespmem:$0x1FED0];
	v41 =	vmul.f32 v38, v61;
	v60 =	vmul.f32 v43, v58  }
0x268: {  	v61 =	vmul.f32 v31, v56;
	v31 =	vmul.f32 v31, v55  }
0x269: {  	[tilespmem:v8+s12+$0x0] =	vst.idx.msk $0xffff, v22;
	v55 =	vmul.f32 v52, v50;
	v50 =	vmul.f32 v3, v27  }
0x26a: {  	[tilespmem:v7+s12+$0x0] =	vst.idx.msk $0xffff, v21;
	v28 =	vmul.f32 v28, v2;
	v44 =	vmul.f32 v42, v63  }
0x26b: {  	[tilespmem:v6+s12+$0x0] =	vst.idx.msk $0xffff, v19;
	v42 =	vmul.f32 v42, v5;
	v5 =	vmul.f32 v52, v49;
	v26 =	vsub.f32 $1.500000000e+00, v26  }
0x26c: {  	v56 =	vld [tilespmem:s17+$0xFFFFFDC0];
	v38 =	vmul.f32 v38, v62;
	v4 =	vadd.f32 v41, v4;
	v62 =	vmul.f32 v39, v59  }
0x26d: {  	v59 =	vmul.f32 v35, v54;
	v0 =	vmul.f32 v26, v0;
	v26 =	vld [tilespmem:$0x1FF40];
	[tilespmem:v15+s12+$0x0] =	vst.idx.msk $0xffff, v18  }
0x26e: {  	v58 =	vld [tilespmem:s17+$0xFFFFFE30];
	v33 =	vsub.f32 $1.500000000e+00, v33;
	v31 =	vadd.f32 v36, v31;
	v54 =	vmul.f32 v50, v3;
	[tilespmem:v14+s12+$0x0] =	vst.idx.msk $0xffff, v20  }
0x26f: {  	s30 =	sadd.s32 $0x1, s18;
	v63 =	vadd.f32 v60, v44;
	v32 =	vadd.f32 v32, v42;
	v60 =	vmul.f32 v46, v25;
	v19 =	vld [tilespmem:$0x1FF00]  }
0x270: {  	v23 =	vmul.f32 v33, v23;
	v44 =	vmov s30;
	v37 =	vadd.f32 v38, v37  }
0x271: {  	v53 =	vld [tilespmem:s17+$0xD0];
	v38 =	vadd.f32 v62, v61;
	v61 =	vmul.f32 v51, v48;
	v62 =	vmul.f32 v59, v35  }
0x272: {  	s19 =	sadd.s32 $0x3, s18;
	v52 =	vld [tilespmem:s17+$0x60];
	v4 =	vadd.f32 v4, v5;
	v5 =	vmul.f32 v24, v47;
	v47 =	vmul.f32 v1, v57  }
0x273: {  	v59 =	vmov s19;
	v41 =	vmul.f32 v58, v56;
	v20 =	vld [tilespmem:$0x1FFD0];
	v56 =	vmul.f32 v16, v26  }
0x274: {  	v36 =	vsub.f32 $1.500000000e+00, v60;
	v39 =	vadd.f32 v63, v45;
	v46 =	vmul.f32 v5, v24;
	v5 =	vld [tilespmem:$0x1FFE0];
	[tilespmem:v13+s12+$0x0] =	vst.idx.msk $0xffff, v19  }
0x275: {  	s31 =	sadd.s32 $0x2, s18;
	v30 =	vadd.f32 v32, v30;
	v58 =	vsub.f32 $1.500000000e+00, v28;
	v57 =	vmul.f32 v17, v26;
	v28 =	vld [tilespmem:$0x1FFF0];
	[tilespmem:v12+s12+$0x0] =	vst.idx.msk $0xffff, v56  }
0x276: {  	v49 =	vld [tilespmem:s17+$0xFFFFFF80];
	v60 =	vsub.f32 $1.500000000e+00, v54;
	v54 =	vmov s31;
	v63 =	vsub.f32 $1.500000000e+00, v62;
	[tilespmem:v11+s12+$0x0] =	vst.idx.msk $0xffff, v9  }
0x277: {  	v48 =	vld [tilespmem:s17+$0xFFFFFF10];
	v37 =	vadd.f32 v37, v55;
	v31 =	vadd.f32 v31, v61;
	v61 =	vand.u32 $0x3F, v59;
	[tilespmem:v10+s12+$0x0] =	vst.idx.msk $0xffff, v57  }
0x278: {  	v51 =	vmul.f32 v47, v1;
	v45 =	vmul.f32 v63, v35;
	v63 =	vadd.s32 v20, v61;
	v16 =	vld [tilespmem:$0x1FF10]  }
0x279: {  	v29 =	vadd.f32 v38, v29;
	v7 =	vmul.f32 v53, v52;
	v25 =	vmul.f32 v36, v25  }
0x27a: {  	v2 =	vmul.f32 v58, v2;
	v3 =	vmul.f32 v60, v3;
	v35 =	vsub.f32 $1.500000000e+00, v46  }
0x27b: {  	v43 =	vld [tilespmem:s17+$0xFFFFFFF0];
	v55 =	vsub.f32 $1.500000000e+00, v51;
	v36 =	vsub.f32 v37, v4;
	v4 =	vand.u32 $0x7FFFFFFF, v4  }
0x27c: {  	v62 =	vld [tilespmem:s17+$0xFFFFFEA0];
	v38 =	vand.u32 $0x7FFFFFFF, v37;
	v8 =	vmul.f32 v49, v48;
	v4 =	vmul.f32 v25, v4  }
0x27d: {  	v53 =	vld [tilespmem:s17+$0x140];
	v48 =	vsub.f32 v30, v39;
	v49 =	vand.u32 $0x7FFFFFFF, v39;
	v24 =	vmul.f32 v35, v24;
	[tilespmem:v63+s12+$0x0] =	vst.idx.msk $0xffff, v16  }
0x27e: {  	v1 =	vmul.f32 v55, v1;
	v35 =	vmov s18;
	v27 =	vadd.s32 v5, v61;
	v17 =	vld [tilespmem:$0x1FF20]  }
0x27f: {  	v40 =	vmul.f32 v45, v38;
	v6 =	vand.u32 $0x7FFFFFFF, v36;
	v42 =	vand.u32 $0x3C, v35  }
0x280: {  	v13 =	vmul.f32 v23, v49;
	v11 =	vand.u32 $0x3D, v44;
	v46 =	vadd.s32 v20, v42  }
0x281: {  	v45 =	vmul.f32 v62, v41;
	v6 =	vmul.f32 v34, v6;
	v51 =	vadd.s32 v20, v11  }
0x282: {  	v8 =	vmul.f32 v43, v8;
	v7 =	vmul.f32 v53, v7;
	v47 =	vadd.s32 v5, v42  }
0x283: {  	v50 =	vand.u32 $0x7FFFFFFF, v30;
	v4 =	vmul.f32 v4, v45;
	v12 =	vadd.s32 v28, v42;
	[tilespmem:v27+s12+$0x0] =	vst.idx.msk $0xffff, v17  }
0x284: {  	v52 =	vmul.f32 v24, v50;
	v13 =	vmul.f32 v13, v8;
	v33 =	vadd.s32 v28, v61;
	v18 =	vld [tilespmem:$0x1FF30]  }
0x285: {  	v9 =	vand.u32 $0x3E, v54;
	v57 =	vadd.s32 v5, v11;
	v10 =	vmul.f32 v40, v45;
	[tilespmem:v46+s12+$0x0] =	vst.idx.msk $0xffff, v4  }
0x286: {  	v58 =	vand.u32 $0x7FFFFFFF, v29;
	v60 =	vadd.s32 v20, v9;
	v6 =	vmul.f32 v6, v45;
	[tilespmem:v51+s12+$0x0] =	vst.idx.msk $0xffff, v13  }
0x287: {  	v56 =	vand.u32 $0x7FFFFFFF, v48;
	v1 =	vmul.f32 v1, v58;
	v11 =	vadd.s32 v28, v11;
	[tilespmem:v47+s12+$0x0] =	vst.idx.msk $0xffff, v10  }
0x288: {  	v0 =	vmul.f32 v0, v56;
	v4 =	vmul.f32 v52, v8;
	[tilespmem:v12+s12+$0x0] =	vst.idx.msk $0xffff, v6  }
0x289: {  	v1 =	vmul.f32 v1, v7;
	[tilespmem:v33+s12+$0x0] =	vst.idx.msk $0xffff, v18  }
0x28a: {  	v0 =	vmul.f32 v0, v8;
	v62 =	vld [tilespmem:$0x1FFB0];
	[tilespmem:v57+s12+$0x0] =	vst.idx.msk $0xffff, v4  }
0x28b: {  	[tilespmem:v60+s12+$0x0] =	vst.idx.msk $0xffff, v1  }
0x28c: {  	v55 =	vsub.f32 v31, v29;
	[tilespmem:v11+s12+$0x0] =	vst.idx.msk $0xffff, v0  }
0x28d: {  	v59 =	vand.u32 $0x7FFFFFFF, v31;
	v61 =	vadd.s32 v5, v9;
	v1 =	vld [tilespmem:$0x1FFA0]  }
0x28e: {  	v2 =	vmul.f32 v2, v59;
	v9 =	vadd.s32 v28, v9;
	v63 =	vand.u32 $0x7FFFFFFF, v55  }
0x28f: {  	v0 =	vmul.f32 v3, v63;
	v8 =	vadd.s32 v28, v62  }
0x290: {  	v2 =	vmul.f32 v2, v7  }
0x291: {  	s16 =	smul.u32 $0x28, s16;
	v0 =	vmul.f32 v0, v7  }
0x292: {  	s15 =	sadd.s32 $0x1, s15;
	[tilespmem:v61+s12+$0x0] =	vst.idx.msk $0xffff, v2;
	v1 =	vmul.f32 v1, v26  }
0x293: {  	p0 =	sne.s32 s15, s7;
	s16 =	sshrl.u32 s16, $0x3;
	[tilespmem:v9+s12+$0x0] =	vst.idx.msk $0xffff, v0  }
.Ltmp1:
0x294: {  	s16 =	sadd.s32 s3, s16;
	[tilespmem:v8+s12+$0x0] =	vst.idx.msk $0xffff, v1;
	(pc) =	sbr.rel @p0 .LBB2_2-.Ltmp1, $4  }
0x295: {  	[hbm4b:s16+s13] =	stream.strided.scatter [tilespmem:s12], [sflag:$0x2], $0x780, s14, s13, $0x38;
	[tilespmem:$0x3C78] =	vst v63  }
0x296: {  	_ =	swait.ge [sflag:s9], $0x780  }
0x297: {  	[sflag:s9] =	ssyncset.done $0x0  }
0x298: {  	v2 =	vmov v28;
	v0 =	vmov v20;
	v1 =	vmov v5;
	[sflag:s9] =	ssyncadd.s32 $0xFFFFF880  }
0x299: {  	s4 =	sadd.s32 $0x1, s4  }
0x29a: {  	p0 =	sne.s32 s4, s8  }
.Ltmp2:
0x29b: {  	_ = 	snop;
	(pc) =	sbr.rel @p0 .LBB2_1-.Ltmp2, $1  }
0x29c: {  	_ =	sdelay $0x3  }
0x29d: {  	_ =	sfence.sel $0x180000  }
0x29e: {  	[bflag:$0x0] =	sbarrier.arrive $0xFFFF  }
0x29f: {  	p0 =	sne.s32 s1, $0x0;
	_ =	strace $0x90000047  }
0x2a0: {  	s0 =	sadd.s32 @!p0 $0x100000, s0;
	[bflag:$0x2] =	sbarrier.arrive $0xFFFF  }
0x2a1: {  	[sflag:s0] =	ssyncadd.tile.s32 @!p0 $0x1;
	_ =	shalt  }
.Lfunc_end2:
_tile_overlayer_lowered:
.L_overlay_start_2:
0x2a2: {  	(tag) =	ssettag $0x2  }
0x2a3: {  	s0 =	rddreg [dreg:$0x0];
	s2 =	stileid.u32  }
0x2a4: {  	s1 =	rddreg [dreg:$0x1];
	p0 =	sne.s32 s2, $0x0  }
0x2a5: {  	s3 =	rddreg [dreg:$0x2];
	[bflag:$0x3] =	sbarrier.arrive $0xFFFF;
	s2 =	simm.s32 @!p0 $0x1C02  }
0x2a6: {  	[timem:s3], [sflag:s2] =	dma.local @!p0 [hbm:s0], s1  }
0x2a7: {  	s0 =	simm.s32 @!p0 $0x2  }
0x2a8: {  	_ =	swait.ge @!p0 [sflag:s0], s1  }
0x2a9: {  	s1 =	ssub.s32 @!p0 $0x0, s1;
	[sflag:s0] =	ssyncset.done @!p0 $0x0  }
0x2aa: {  	[sflag:s0] =	ssyncadd.s32 @!p0 s1  }
0x2ab: {  	[bflag:$0x3] =	sbarrier.arrive $0xFFFF  }
0x2ac: {  	_ =	shalt  }

</sc_bundles>
